<compile_context>
chip_gen: v7x
topology: tpu7x:2x2x1
jax: 0.10.2.dev20260603
libtpu: 0.0.44.dev20260713+nightly
codegen_flags: <defaults>
</compile_context>

<pallas_src>
import dataclasses
import functools

import jax
import jax.numpy as jnp
from jax import lax
from jax.experimental import pallas as pl
from jax.experimental.pallas import tpu as pltpu
from jax.experimental.pallas import tpu_sc as plsc

_N = 10000
_E = 320000
_D = 128
_C = 64
_NPAD = 10240
_HALF = 32
_RPT = _NPAD // 16
_CHUNK = 80
_NSUB = 16

_DEG_EPT = _E // 32
_DEG_CHUNKS = _DEG_EPT // _CHUNK
_PROP_EPT = _E // _NSUB
_PROP_CHUNKS = _PROP_EPT // _CHUNK

_mesh = plsc.VectorSubcoreMesh(core_axis_name="c", subcore_axis_name="s")

_cp = pltpu.CompilerParams(needs_layout_passes=False,
                           use_tc_tiling_on_sc=False)


def _fill(buf, nvec, val):
    def body(j, _):
        buf[pl.ds(j * 16, 16)] = jnp.full((16,), val, jnp.float32)
        return _
    lax.fori_loop(0, nvec, body, None)


@functools.partial(
    pl.kernel,
    out_type=jax.ShapeDtypeStruct((2, _NPAD), jnp.float32),
    mesh=_mesh,
    scratch_types=[
        pltpu.VMEM((_DEG_CHUNKS, _CHUNK), jnp.int32),
        pltpu.VMEM((_CHUNK,), jnp.float32),
        pltpu.VMEM((_RPT,), jnp.float32),
        pltpu.VMEM_SHARED((_NPAD,), jnp.float32),
    ],
)
def _deg_kernel(dst_hbm, degp_hbm, dst_v, ones_v, buf_v, deg_sp):
    c = lax.axis_index("c")
    s = lax.axis_index("s")
    wid = c * _NSUB + s
    r0 = s * _RPT
    _fill(buf_v, _RPT // 16, jnp.where(c == 0, 1.0, 0.0))
    pltpu.sync_copy(buf_v, deg_sp.at[pl.ds(r0, _RPT)])
    _fill(ones_v, _CHUNK // 16, 1.0)
    pltpu.sync_copy(dst_hbm.at[wid], dst_v)
    plsc.subcore_barrier()

    def edge_loop(i, _):
        pltpu.sync_copy(ones_v, deg_sp.at[dst_v.at[i]], add=True)
        return _
    lax.fori_loop(0, _DEG_CHUNKS, edge_loop, None)
    plsc.subcore_barrier()
    pltpu.sync_copy(deg_sp.at[pl.ds(r0, _RPT)], buf_v)
    pltpu.sync_copy(buf_v, degp_hbm.at[c, pl.ds(r0, _RPT)])


@functools.partial(
    pl.kernel,
    out_type=(
        jax.ShapeDtypeStruct((2, _NPAD, _HALF), jnp.float32),
        jax.ShapeDtypeStruct((2, _NPAD, _HALF), jnp.float32),
    ),
    mesh=_mesh,
    compiler_params=_cp,
    scratch_types=[
        pltpu.VMEM((_PROP_CHUNKS, _CHUNK), jnp.int32),
        pltpu.VMEM((_PROP_CHUNKS, _CHUNK), jnp.int32),
        pltpu.VMEM((_CHUNK, _HALF), jnp.float32),
        pltpu.VMEM((_RPT, _HALF), jnp.float32),
        pltpu.VMEM((_RPT,), jnp.float32),
        pltpu.VMEM_SHARED((_NPAD, _HALF), jnp.float32),
    ],
)
def _prop_kernel(z0, esrc, edst, dinv_hbm, u2, z1,
                 src_v, dst_v, rows_v, rowbuf, dinv_v, acc_sp):
    c = lax.axis_index("c")
    s = lax.axis_index("s")
    r0 = s * _RPT
    tbl0 = z0.at[c]
    tbl1 = z1.at[c]
    pltpu.sync_copy(esrc.at[s], src_v)
    pltpu.sync_copy(edst.at[s], dst_v)
    pltpu.sync_copy(dinv_hbm.at[pl.ds(r0, _RPT)], dinv_v)
    pltpu.sync_copy(tbl0.at[pl.ds(r0, _RPT)], rowbuf)
    pltpu.sync_copy(rowbuf, acc_sp.at[pl.ds(r0, _RPT)])
    plsc.subcore_barrier()

    def hop(table, i, _):
        pltpu.sync_copy(table.at[src_v.at[i]], rows_v)
        pltpu.sync_copy(rows_v, acc_sp.at[dst_v.at[i]], add=True)
        return _

    lax.fori_loop(0, _PROP_CHUNKS, functools.partial(hop, tbl0), None)
    plsc.subcore_barrier()

    pltpu.sync_copy(acc_sp.at[pl.ds(r0, _RPT)], rowbuf)

    def scale(r, _):
        dscale = plsc.load_gather(dinv_v, [jnp.full((16,), r, jnp.int32)])
        for h in range(_HALF // 16):
            v = rowbuf[r, pl.ds(h * 16, 16)]
            rowbuf[r, pl.ds(h * 16, 16)] = v * dscale
        return _
    lax.fori_loop(0, _RPT, scale, None)

    pltpu.sync_copy(rowbuf, tbl1.at[pl.ds(r0, _RPT)])
    pltpu.sync_copy(rowbuf, acc_sp.at[pl.ds(r0, _RPT)])
    plsc.subcore_barrier()

    lax.fori_loop(0, _PROP_CHUNKS, functools.partial(hop, tbl1), None)
    plsc.subcore_barrier()

    pltpu.sync_copy(acc_sp.at[pl.ds(r0, _RPT)], rowbuf)
    pltpu.sync_copy(rowbuf, u2.at[c, pl.ds(r0, _RPT)])


def _tc_pre_body(x_ref, w_ref, degp_ref, z0_ref, dinv_ref, dis_ref):
    deg = degp_ref[0, :] + degp_ref[1, :]
    dis = lax.rsqrt(deg)
    y = lax.dot_general(x_ref[...], w_ref[...], (((1,), (1,)), ((), ())),
                        preferred_element_type=jnp.float32)
    z = y * dis[:, None]
    z0_ref[0] = z[:, :_HALF]
    z0_ref[1] = z[:, _HALF:]
    dinv_ref[...] = 1.0 / deg
    dis_ref[...] = dis


def _tc_pre(x_pad, w, degp):
    blk = 256
    grid = _NPAD // blk
    return pl.pallas_call(
        _tc_pre_body,
        grid=(grid,),
        in_specs=[
            pl.BlockSpec((blk, _D), lambda i: (i, 0)),
            pl.BlockSpec((_C, _D), lambda i: (0, 0)),
            pl.BlockSpec((2, blk), lambda i: (0, i)),
        ],
        out_specs=[
            pl.BlockSpec((2, blk, _HALF), lambda i: (0, i, 0)),
            pl.BlockSpec((blk,), lambda i: (i,)),
            pl.BlockSpec((blk,), lambda i: (i,)),
        ],
        out_shape=[
            jax.ShapeDtypeStruct((2, _NPAD, _HALF), jnp.float32),
            jax.ShapeDtypeStruct((_NPAD,), jnp.float32),
            jax.ShapeDtypeStruct((_NPAD,), jnp.float32),
        ],
    )(x_pad, w, degp)


def _tc_post_body(u2_ref, dis_ref, b_ref, out_ref):
    h = jnp.concatenate([u2_ref[0], u2_ref[1]], axis=1)
    logits = h * dis_ref[...][:, None] + b_ref[...][None, :]
    m = jnp.max(logits, axis=1, keepdims=True)
    shifted = logits - m
    lse = jnp.log(jnp.sum(jnp.exp(shifted), axis=1, keepdims=True))
    out_ref[...] = shifted - lse


def _tc_post(u2, dis, b):
    blk = 256
    grid = _NPAD // blk
    return pl.pallas_call(
        _tc_post_body,
        grid=(grid,),
        in_specs=[
            pl.BlockSpec((2, blk, _HALF), lambda i: (0, i, 0)),
            pl.BlockSpec((blk,), lambda i: (i,)),
            pl.BlockSpec((_C,), lambda i: (0,)),
        ],
        out_specs=pl.BlockSpec((blk, _C), lambda i: (i, 0)),
        out_shape=jax.ShapeDtypeStruct((_NPAD, _C), jnp.float32),
    )(u2, dis, b)


def kernel(x, edge_index, W, b):
    x_pad = jnp.zeros((_NPAD, _D), jnp.float32).at[:_N].set(x)
    src = edge_index[0].reshape(_NSUB, _PROP_CHUNKS, _CHUNK)
    dst = edge_index[1].reshape(_NSUB, _PROP_CHUNKS, _CHUNK)
    dst32 = edge_index[1].reshape(32, _DEG_CHUNKS, _CHUNK)

    degp = _deg_kernel(dst32)
    z0, dinv, dis = _tc_pre(x_pad, W, degp)
    u2, _ = _prop_kernel(z0, src, dst, dinv)
    out = _tc_post(u2, dis, b)
    return out[:_N]

# --- scband reference (transcript-rebuilt; emitter-appended) ---
"""Pipeline reference for scband-sgcnet-17695265259896 (READ-ONLY COPY).

The authoritative reference and input builder live on the scoring server;
editing this copy changes nothing except your own understanding.
"""

import jax, jax.numpy as jnp
import numpy as np

N = 10000
E = 320000
D = 128
C = 64
K = 2


def setup_inputs(seed: int = 0) -> dict:
    key = jax.random.key(seed)
    k1, k2, k3 = jax.random.split(key, 3)
    x = jax.random.normal(k1, (N, D), dtype=jnp.float32)
    edge_index = jax.random.randint(k2, (2, E), 0, N, dtype=jnp.int32)
    # Learned params of SGConv's internal Linear(num_features -> num_classes)
    W = jax.random.normal(k3, (C, D), dtype=jnp.float32) * (1.0 / np.sqrt(D))
    b = jnp.zeros((C,), dtype=jnp.float32)
    return {"x": x, "edge_index": edge_index, "W": W, "b": b}


def reference(x, edge_index, W, b):
    # SGC: out = log_softmax( (D^-1/2 (A+I) D^-1/2)^K X W^T + b )
    n = x.shape[0]
    loop = jnp.arange(n, dtype=edge_index.dtype)
    src = jnp.concatenate([edge_index[0], loop])
    dst = jnp.concatenate([edge_index[1], loop])
    # gcn_norm: degree computed on dst with unit edge weights (incl. self loops)
    deg = jnp.zeros((n,), dtype=x.dtype).at[dst].add(1.0)
    deg_inv_sqrt = jnp.where(deg > 0, 1.0 / jnp.sqrt(deg), 0.0)
    norm = deg_inv_sqrt[src] * deg_inv_sqrt[dst]
    h = x
    for _ in range(K):
        msgs = norm[:, None] * h[src]          # gather (SparseCore)
        h = jnp.zeros_like(h).at[dst].add(msgs)  # scatter-add (SparseCore)
    logits = h @ W.T + b
    return jax.nn.log_softmax(logits, axis=1)

if __name__ == "__main__":
    import jax
    _d = setup_inputs()
    print(jax.jit(kernel)(*tuple(_d.values())))

</pallas_src>

<mosaic_0001>
#map = affine_map<(d0, d1) -> (0, 0, 0)>
#map1 = affine_map<(d0, d1) -> (0, 0)>
module attributes {stable_mosaic.version = 14 : i64} {
  func.func @_deg_kernel(%arg0: i32, %arg1: i32, %arg2: memref<32x125x80xi32, #tpu.memory_space<hbm>>, %arg3: memref<2x10240xf32, #tpu.memory_space<hbm>>, %arg4: memref<125x80xi32, #tpu.memory_space<vmem>>, %arg5: memref<80xf32, #tpu.memory_space<vmem>>, %arg6: memref<640xf32, #tpu.memory_space<vmem>>, %arg7: memref<10240xf32, #tpu.memory_space<vmem_shared>>) attributes {dimension_semantics = [#tpu.dimension_semantics<core_parallel>, #tpu.dimension_semantics<subcore_parallel>], iteration_bounds = array<i64: 2, 16>, scalar_prefetch = 0 : i64, scratch_operands = 4 : i64, tpu.core_type = #tpu.core_type<sc_vector_subcore>, window_params = [{transform_indices = #map}, {transform_indices = #map1}]} {
    %mul3A = arith.constant 16 : i32
    %mul3A_0 = arith.muli %arg0, %mul3A : i32
    %add3A = arith.addi %mul3A_0, %arg1 : i32
    %mul3A_1 = arith.constant 640 : i32
    %mul3A_2 = arith.muli %arg1, %mul3A_1 : i32
    %eq3A = arith.constant 0 : i32
    %eq3A_3 = arith.cmpi eq, %arg0, %eq3A : i32
    %jit3A = arith.constant 1.000000e+00 : f32
    %jit3A_4 = arith.constant 0.000000e+00 : f32
    %select_n3A = arith.select %eq3A_3, %jit3A, %jit3A_4 : f32
    %scan3A = arith.constant 0 : i32
    %scan3A_5 = arith.constant 40 : i32
    %scan3A_6 = arith.addi %scan3A, %scan3A_5 : i32
    %scan3A_7 = arith.constant 1 : i32
    scf.for %scan3A_20 = %scan3A to %scan3A_6 step %scan3A_7  : i32 {
      %broadcast_in_dim3A = vector.broadcast %select_n3A : f32 to vector<16xf32>
      %mul3A_21 = arith.constant 16 : i32
      %mul3A_22 = arith.muli %scan3A_20, %mul3A_21 : i32
      %swap3A = arith.index_cast %mul3A_22 : i32 to index
      %swap3A_23 = tpu.vector_load %arg6[%swap3A] {strides = array<i32>} : memref<640xf32, #tpu.memory_space<vmem>>, vector<16xf32>,
      %swap3A_24 = vector.shape_cast %swap3A_23 : vector<16xf32> to vector<16xf32>
      %swap3A_25 = vector.shape_cast %broadcast_in_dim3A : vector<16xf32> to vector<16xf32>
      tpu.vector_store %arg6[%swap3A], %swap3A_25 {strides = array<i32>} : memref<640xf32, #tpu.memory_space<vmem>>, vector<16xf32>,
    }
    %scan3A_8 = arith.constant 40 : i32
    "tpu.region"() ({
      %run_scoped3A = tpu.sem_alloc : memref<!tpu.dma_semaphore, #tpu.memory_space<semaphore_mem>>
      %dma_start3A = tpu.memref_slice %arg7[%mul3A_2] : memref<10240xf32, #tpu.memory_space<vmem_shared>> -> memref<640xf32, #tpu.memory_space<vmem_shared>>
      %dma_start3A_20 = tpu.memref_slice %arg7[%mul3A_2] : memref<10240xf32, #tpu.memory_space<vmem_shared>> -> memref<640xf32, #tpu.memory_space<vmem_shared>>
      tpu.enqueue_dma source(%arg6 : memref<640xf32, #tpu.memory_space<vmem>>) target(%dma_start3A_20 : memref<640xf32, #tpu.memory_space<vmem_shared>>) target_semaphore(%run_scoped3A : memref<!tpu.dma_semaphore, #tpu.memory_space<semaphore_mem>>)
      %dma_wait3A = tpu.memref_slice %arg7[%mul3A_2] : memref<10240xf32, #tpu.memory_space<vmem_shared>> -> memref<640xf32, #tpu.memory_space<vmem_shared>>
      %dma_wait3A_21 = tpu.memref_slice %arg7[%mul3A_2] : memref<10240xf32, #tpu.memory_space<vmem_shared>> -> memref<640xf32, #tpu.memory_space<vmem_shared>>
      tpu.wait_dma2 semaphore(%run_scoped3A : memref<!tpu.dma_semaphore, #tpu.memory_space<semaphore_mem>>) src(%arg6 : memref<640xf32, #tpu.memory_space<vmem>>) dst(%dma_wait3A_21 : memref<640xf32, #tpu.memory_space<vmem_shared>>)
      tpu.yield
    }) : () -> ()
    %scan3A_9 = arith.constant 0 : i32
    %scan3A_10 = arith.constant 5 : i32
    %scan3A_11 = arith.addi %scan3A_9, %scan3A_10 : i32
    %scan3A_12 = arith.constant 1 : i32
    scf.for %scan3A_20 = %scan3A_9 to %scan3A_11 step %scan3A_12  : i32 {
      %broadcast_in_dim3A = arith.constant 1.000000e+00 : f32
      %broadcast_in_dim3A_21 = vector.broadcast %broadcast_in_dim3A : f32 to vector<16xf32>
      %mul3A_22 = arith.constant 16 : i32
      %mul3A_23 = arith.muli %scan3A_20, %mul3A_22 : i32
      %swap3A = arith.index_cast %mul3A_23 : i32 to index
      %swap3A_24 = tpu.vector_load %arg5[%swap3A] {strides = array<i32>} : memref<80xf32, #tpu.memory_space<vmem>>, vector<16xf32>,
      %swap3A_25 = vector.shape_cast %swap3A_24 : vector<16xf32> to vector<16xf32>
      %swap3A_26 = vector.shape_cast %broadcast_in_dim3A_21 : vector<16xf32> to vector<16xf32>
      tpu.vector_store %arg5[%swap3A], %swap3A_26 {strides = array<i32>} : memref<80xf32, #tpu.memory_space<vmem>>, vector<16xf32>,
    }
    %scan3A_13 = arith.constant 5 : i32
    "tpu.region"() ({
      %run_scoped3A = tpu.sem_alloc : memref<!tpu.dma_semaphore, #tpu.memory_space<semaphore_mem>>
      %dma_start3A = arith.constant 0 : i32
      %dma_start3A_20 = arith.constant 0 : i32
      %dma_start3A_21 = tpu.memref_slice %arg2[%add3A, %dma_start3A, %dma_start3A_20] : memref<32x125x80xi32, #tpu.memory_space<hbm>> -> memref<1x125x80xi32, #tpu.memory_space<hbm>>
      %dma_start3A_22 = tpu.memref_squeeze %dma_start3A_21 : memref<1x125x80xi32, #tpu.memory_space<hbm>> -> memref<125x80xi32, #tpu.memory_space<hbm>>
      %dma_start3A_23 = arith.constant 0 : i32
      %dma_start3A_24 = arith.constant 0 : i32
      %dma_start3A_25 = tpu.memref_slice %arg2[%add3A, %dma_start3A_23, %dma_start3A_24] : memref<32x125x80xi32, #tpu.memory_space<hbm>> -> memref<1x125x80xi32, #tpu.memory_space<hbm>>
      %dma_start3A_26 = tpu.memref_squeeze %dma_start3A_25 : memref<1x125x80xi32, #tpu.memory_space<hbm>> -> memref<125x80xi32, #tpu.memory_space<hbm>>
      tpu.enqueue_dma source(%dma_start3A_26 : memref<125x80xi32, #tpu.memory_space<hbm>>) target(%arg4 : memref<125x80xi32, #tpu.memory_space<vmem>>) target_semaphore(%run_scoped3A : memref<!tpu.dma_semaphore, #tpu.memory_space<semaphore_mem>>)
      %dma_wait3A = arith.constant 0 : i32
      %dma_wait3A_27 = arith.constant 0 : i32
      %dma_wait3A_28 = tpu.memref_slice %arg2[%add3A, %dma_wait3A, %dma_wait3A_27] : memref<32x125x80xi32, #tpu.memory_space<hbm>> -> memref<1x125x80xi32, #tpu.memory_space<hbm>>
      %dma_wait3A_29 = tpu.memref_squeeze %dma_wait3A_28 : memref<1x125x80xi32, #tpu.memory_space<hbm>> -> memref<125x80xi32, #tpu.memory_space<hbm>>
      %dma_wait3A_30 = arith.constant 0 : i32
      %dma_wait3A_31 = arith.constant 0 : i32
      %dma_wait3A_32 = tpu.memref_slice %arg2[%add3A, %dma_wait3A_30, %dma_wait3A_31] : memref<32x125x80xi32, #tpu.memory_space<hbm>> -> memref<1x125x80xi32, #tpu.memory_space<hbm>>
      %dma_wait3A_33 = tpu.memref_squeeze %dma_wait3A_32 : memref<1x125x80xi32, #tpu.memory_space<hbm>> -> memref<125x80xi32, #tpu.memory_space<hbm>>
      tpu.wait_dma2 semaphore(%run_scoped3A : memref<!tpu.dma_semaphore, #tpu.memory_space<semaphore_mem>>) src(%dma_wait3A_33 : memref<125x80xi32, #tpu.memory_space<hbm>>) dst(%arg4 : memref<125x80xi32, #tpu.memory_space<vmem>>)
      tpu.yield
    }) : () -> ()
    %barrier3A = arith.constant 0 : index
    tpu.barrier barrier_id(%barrier3A)
    %scan3A_14 = arith.constant 0 : i32
    %scan3A_15 = arith.constant 125 : i32
    %scan3A_16 = arith.addi %scan3A_14, %scan3A_15 : i32
    %scan3A_17 = arith.constant 1 : i32
    scf.for %scan3A_20 = %scan3A_14 to %scan3A_16 step %scan3A_17  : i32 {
      "tpu.region"() ({
        %run_scoped3A = tpu.sem_alloc : memref<!tpu.dma_semaphore, #tpu.memory_space<semaphore_mem>>
        %dma_start3A = arith.constant 0 : i32
        %dma_start3A_21 = tpu.memref_slice %arg4[%scan3A_20, %dma_start3A] : memref<125x80xi32, #tpu.memory_space<vmem>> -> memref<1x80xi32, #tpu.memory_space<vmem>>
        %dma_start3A_22 = tpu.memref_squeeze %dma_start3A_21 : memref<1x80xi32, #tpu.memory_space<vmem>> -> memref<80xi32, #tpu.memory_space<vmem>>
        %dma_start3A_23 = arith.constant 0 : i32
        %dma_start3A_24 = tpu.memref_slice %arg7[%dma_start3A_23] : memref<10240xf32, #tpu.memory_space<vmem_shared>> -> memref<10240xf32, #tpu.memory_space<vmem_shared>>
        tpu.enqueue_indirect_dma source(%arg5 : memref<80xf32, #tpu.memory_space<vmem>>) target(%dma_start3A_24 : memref<10240xf32, #tpu.memory_space<vmem_shared>>) offsets(%dma_start3A_22 : memref<80xi32, #tpu.memory_space<vmem>>) semaphore(%run_scoped3A : memref<!tpu.dma_semaphore, #tpu.memory_space<semaphore_mem>>) {add = true}
        %dma_wait3A = arith.constant 0 : i32
        %dma_wait3A_25 = tpu.memref_slice %arg4[%scan3A_20, %dma_wait3A] : memref<125x80xi32, #tpu.memory_space<vmem>> -> memref<1x80xi32, #tpu.memory_space<vmem>>
        %dma_wait3A_26 = tpu.memref_squeeze %dma_wait3A_25 : memref<1x80xi32, #tpu.memory_space<vmem>> -> memref<80xi32, #tpu.memory_space<vmem>>
        %dma_wait3A_27 = arith.constant 0 : i32
        %dma_wait3A_28 = tpu.memref_slice %arg7[%dma_wait3A_27] : memref<10240xf32, #tpu.memory_space<vmem_shared>> -> memref<10240xf32, #tpu.memory_space<vmem_shared>>
        tpu.wait_indirect_dma semaphore(%run_scoped3A : memref<!tpu.dma_semaphore, #tpu.memory_space<semaphore_mem>>) src(%arg5 : memref<80xf32, #tpu.memory_space<vmem>>) dst(%dma_wait3A_28 : memref<10240xf32, #tpu.memory_space<vmem_shared>>)
        tpu.yield
      }) : () -> ()
    }
    %scan3A_18 = arith.constant 125 : i32
    %barrier3A_19 = arith.constant 0 : index
    tpu.barrier barrier_id(%barrier3A_19)
    "tpu.region"() ({
      %run_scoped3A = tpu.sem_alloc : memref<!tpu.dma_semaphore, #tpu.memory_space<semaphore_mem>>
      %dma_start3A = tpu.memref_slice %arg7[%mul3A_2] : memref<10240xf32, #tpu.memory_space<vmem_shared>> -> memref<640xf32, #tpu.memory_space<vmem_shared>>
      %dma_start3A_20 = tpu.memref_slice %arg7[%mul3A_2] : memref<10240xf32, #tpu.memory_space<vmem_shared>> -> memref<640xf32, #tpu.memory_space<vmem_shared>>
      tpu.enqueue_dma source(%dma_start3A_20 : memref<640xf32, #tpu.memory_space<vmem_shared>>) target(%arg6 : memref<640xf32, #tpu.memory_space<vmem>>) target_semaphore(%run_scoped3A : memref<!tpu.dma_semaphore, #tpu.memory_space<semaphore_mem>>)
      %dma_wait3A = tpu.memref_slice %arg7[%mul3A_2] : memref<10240xf32, #tpu.memory_space<vmem_shared>> -> memref<640xf32, #tpu.memory_space<vmem_shared>>
      %dma_wait3A_21 = tpu.memref_slice %arg7[%mul3A_2] : memref<10240xf32, #tpu.memory_space<vmem_shared>> -> memref<640xf32, #tpu.memory_space<vmem_shared>>
      tpu.wait_dma2 semaphore(%run_scoped3A : memref<!tpu.dma_semaphore, #tpu.memory_space<semaphore_mem>>) src(%dma_wait3A_21 : memref<640xf32, #tpu.memory_space<vmem_shared>>) dst(%arg6 : memref<640xf32, #tpu.memory_space<vmem>>)
      tpu.yield
    }) : () -> ()
    "tpu.region"() ({
      %run_scoped3A = tpu.sem_alloc : memref<!tpu.dma_semaphore, #tpu.memory_space<semaphore_mem>>
      %dma_start3A = tpu.memref_slice %arg3[%arg0, %mul3A_2] : memref<2x10240xf32, #tpu.memory_space<hbm>> -> memref<1x640xf32, #tpu.memory_space<hbm>>
      %dma_start3A_20 = tpu.memref_squeeze %dma_start3A : memref<1x640xf32, #tpu.memory_space<hbm>> -> memref<640xf32, #tpu.memory_space<hbm>>
      %dma_start3A_21 = tpu.memref_slice %arg3[%arg0, %mul3A_2] : memref<2x10240xf32, #tpu.memory_space<hbm>> -> memref<1x640xf32, #tpu.memory_space<hbm>>
      %dma_start3A_22 = tpu.memref_squeeze %dma_start3A_21 : memref<1x640xf32, #tpu.memory_space<hbm>> -> memref<640xf32, #tpu.memory_space<hbm>>
      tpu.enqueue_dma source(%arg6 : memref<640xf32, #tpu.memory_space<vmem>>) target(%dma_start3A_22 : memref<640xf32, #tpu.memory_space<hbm>>) target_semaphore(%run_scoped3A : memref<!tpu.dma_semaphore, #tpu.memory_space<semaphore_mem>>)
      %dma_wait3A = tpu.memref_slice %arg3[%arg0, %mul3A_2] : memref<2x10240xf32, #tpu.memory_space<hbm>> -> memref<1x640xf32, #tpu.memory_space<hbm>>
      %dma_wait3A_23 = tpu.memref_squeeze %dma_wait3A : memref<1x640xf32, #tpu.memory_space<hbm>> -> memref<640xf32, #tpu.memory_space<hbm>>
      %dma_wait3A_24 = tpu.memref_slice %arg3[%arg0, %mul3A_2] : memref<2x10240xf32, #tpu.memory_space<hbm>> -> memref<1x640xf32, #tpu.memory_space<hbm>>
      %dma_wait3A_25 = tpu.memref_squeeze %dma_wait3A_24 : memref<1x640xf32, #tpu.memory_space<hbm>> -> memref<640xf32, #tpu.memory_space<hbm>>
      tpu.wait_dma2 semaphore(%run_scoped3A : memref<!tpu.dma_semaphore, #tpu.memory_space<semaphore_mem>>) src(%arg6 : memref<640xf32, #tpu.memory_space<vmem>>) dst(%dma_wait3A_25 : memref<640xf32, #tpu.memory_space<hbm>>)
      tpu.yield
    }) : () -> ()
    return
  }
}

#map = affine_map<(d0, d1) -> (0, 0, 0)>
#map1 = affine_map<(d0, d1) -> (0)>
module attributes {stable_mosaic.version = 14 : i64} {
  func.func @_prop_kernel(%arg0: i32, %arg1: i32, %arg2: memref<2x10240x32xf32, #tpu.memory_space<hbm>>, %arg3: memref<16x250x80xi32, #tpu.memory_space<hbm>>, %arg4: memref<16x250x80xi32, #tpu.memory_space<hbm>>, %arg5: memref<10240xf32, #tpu.memory_space<hbm>>, %arg6: memref<2x10240x32xf32, #tpu.memory_space<hbm>>, %arg7: memref<2x10240x32xf32, #tpu.memory_space<hbm>>, %arg8: memref<250x80xi32, #tpu.memory_space<vmem>>, %arg9: memref<250x80xi32, #tpu.memory_space<vmem>>, %arg10: memref<80x32xf32, #tpu.memory_space<vmem>>, %arg11: memref<640x32xf32, #tpu.memory_space<vmem>>, %arg12: memref<640xf32, #tpu.memory_space<vmem>>, %arg13: memref<10240x32xf32, #tpu.memory_space<vmem_shared>>) attributes {dimension_semantics = [#tpu.dimension_semantics<core_parallel>, #tpu.dimension_semantics<subcore_parallel>], iteration_bounds = array<i64: 2, 16>, scalar_prefetch = 0 : i64, scratch_operands = 6 : i64, tpu.core_type = #tpu.core_type<sc_vector_subcore>, window_params = [{transform_indices = #map}, {transform_indices = #map}, {transform_indices = #map}, {transform_indices = #map1}, {transform_indices = #map}, {transform_indices = #map}]} {
    %mul3A = arith.constant 640 : i32
    %mul3A_0 = arith.muli %arg1, %mul3A : i32
    "tpu.region"() ({
      %run_scoped3A = tpu.sem_alloc : memref<!tpu.dma_semaphore, #tpu.memory_space<semaphore_mem>>
      %dma_start3A = arith.constant 0 : i32
      %dma_start3A_18 = arith.constant 0 : i32
      %dma_start3A_19 = tpu.memref_slice %arg3[%arg1, %dma_start3A, %dma_start3A_18] : memref<16x250x80xi32, #tpu.memory_space<hbm>> -> memref<1x250x80xi32, #tpu.memory_space<hbm>>
      %dma_start3A_20 = tpu.memref_squeeze %dma_start3A_19 : memref<1x250x80xi32, #tpu.memory_space<hbm>> -> memref<250x80xi32, #tpu.memory_space<hbm>>
      %dma_start3A_21 = arith.constant 0 : i32
      %dma_start3A_22 = arith.constant 0 : i32
      %dma_start3A_23 = tpu.memref_slice %arg3[%arg1, %dma_start3A_21, %dma_start3A_22] : memref<16x250x80xi32, #tpu.memory_space<hbm>> -> memref<1x250x80xi32, #tpu.memory_space<hbm>>
      %dma_start3A_24 = tpu.memref_squeeze %dma_start3A_23 : memref<1x250x80xi32, #tpu.memory_space<hbm>> -> memref<250x80xi32, #tpu.memory_space<hbm>>
      tpu.enqueue_dma source(%dma_start3A_24 : memref<250x80xi32, #tpu.memory_space<hbm>>) target(%arg8 : memref<250x80xi32, #tpu.memory_space<vmem>>) target_semaphore(%run_scoped3A : memref<!tpu.dma_semaphore, #tpu.memory_space<semaphore_mem>>)
      %dma_wait3A = arith.constant 0 : i32
      %dma_wait3A_25 = arith.constant 0 : i32
      %dma_wait3A_26 = tpu.memref_slice %arg3[%arg1, %dma_wait3A, %dma_wait3A_25] : memref<16x250x80xi32, #tpu.memory_space<hbm>> -> memref<1x250x80xi32, #tpu.memory_space<hbm>>
      %dma_wait3A_27 = tpu.memref_squeeze %dma_wait3A_26 : memref<1x250x80xi32, #tpu.memory_space<hbm>> -> memref<250x80xi32, #tpu.memory_space<hbm>>
      %dma_wait3A_28 = arith.constant 0 : i32
      %dma_wait3A_29 = arith.constant 0 : i32
      %dma_wait3A_30 = tpu.memref_slice %arg3[%arg1, %dma_wait3A_28, %dma_wait3A_29] : memref<16x250x80xi32, #tpu.memory_space<hbm>> -> memref<1x250x80xi32, #tpu.memory_space<hbm>>
      %dma_wait3A_31 = tpu.memref_squeeze %dma_wait3A_30 : memref<1x250x80xi32, #tpu.memory_space<hbm>> -> memref<250x80xi32, #tpu.memory_space<hbm>>
      tpu.wait_dma2 semaphore(%run_scoped3A : memref<!tpu.dma_semaphore, #tpu.memory_space<semaphore_mem>>) src(%dma_wait3A_31 : memref<250x80xi32, #tpu.memory_space<hbm>>) dst(%arg8 : memref<250x80xi32, #tpu.memory_space<vmem>>)
      tpu.yield
    }) : () -> ()
    "tpu.region"() ({
      %run_scoped3A = tpu.sem_alloc : memref<!tpu.dma_semaphore, #tpu.memory_space<semaphore_mem>>
      %dma_start3A = arith.constant 0 : i32
      %dma_start3A_18 = arith.constant 0 : i32
      %dma_start3A_19 = tpu.memref_slice %arg4[%arg1, %dma_start3A, %dma_start3A_18] : memref<16x250x80xi32, #tpu.memory_space<hbm>> -> memref<1x250x80xi32, #tpu.memory_space<hbm>>
      %dma_start3A_20 = tpu.memref_squeeze %dma_start3A_19 : memref<1x250x80xi32, #tpu.memory_space<hbm>> -> memref<250x80xi32, #tpu.memory_space<hbm>>
      %dma_start3A_21 = arith.constant 0 : i32
      %dma_start3A_22 = arith.constant 0 : i32
      %dma_start3A_23 = tpu.memref_slice %arg4[%arg1, %dma_start3A_21, %dma_start3A_22] : memref<16x250x80xi32, #tpu.memory_space<hbm>> -> memref<1x250x80xi32, #tpu.memory_space<hbm>>
      %dma_start3A_24 = tpu.memref_squeeze %dma_start3A_23 : memref<1x250x80xi32, #tpu.memory_space<hbm>> -> memref<250x80xi32, #tpu.memory_space<hbm>>
      tpu.enqueue_dma source(%dma_start3A_24 : memref<250x80xi32, #tpu.memory_space<hbm>>) target(%arg9 : memref<250x80xi32, #tpu.memory_space<vmem>>) target_semaphore(%run_scoped3A : memref<!tpu.dma_semaphore, #tpu.memory_space<semaphore_mem>>)
      %dma_wait3A = arith.constant 0 : i32
      %dma_wait3A_25 = arith.constant 0 : i32
      %dma_wait3A_26 = tpu.memref_slice %arg4[%arg1, %dma_wait3A, %dma_wait3A_25] : memref<16x250x80xi32, #tpu.memory_space<hbm>> -> memref<1x250x80xi32, #tpu.memory_space<hbm>>
      %dma_wait3A_27 = tpu.memref_squeeze %dma_wait3A_26 : memref<1x250x80xi32, #tpu.memory_space<hbm>> -> memref<250x80xi32, #tpu.memory_space<hbm>>
      %dma_wait3A_28 = arith.constant 0 : i32
      %dma_wait3A_29 = arith.constant 0 : i32
      %dma_wait3A_30 = tpu.memref_slice %arg4[%arg1, %dma_wait3A_28, %dma_wait3A_29] : memref<16x250x80xi32, #tpu.memory_space<hbm>> -> memref<1x250x80xi32, #tpu.memory_space<hbm>>
      %dma_wait3A_31 = tpu.memref_squeeze %dma_wait3A_30 : memref<1x250x80xi32, #tpu.memory_space<hbm>> -> memref<250x80xi32, #tpu.memory_space<hbm>>
      tpu.wait_dma2 semaphore(%run_scoped3A : memref<!tpu.dma_semaphore, #tpu.memory_space<semaphore_mem>>) src(%dma_wait3A_31 : memref<250x80xi32, #tpu.memory_space<hbm>>) dst(%arg9 : memref<250x80xi32, #tpu.memory_space<vmem>>)
      tpu.yield
    }) : () -> ()
    "tpu.region"() ({
      %run_scoped3A = tpu.sem_alloc : memref<!tpu.dma_semaphore, #tpu.memory_space<semaphore_mem>>
      %dma_start3A = tpu.memref_slice %arg5[%mul3A_0] : memref<10240xf32, #tpu.memory_space<hbm>> -> memref<640xf32, #tpu.memory_space<hbm>>
      %dma_start3A_18 = tpu.memref_slice %arg5[%mul3A_0] : memref<10240xf32, #tpu.memory_space<hbm>> -> memref<640xf32, #tpu.memory_space<hbm>>
      tpu.enqueue_dma source(%dma_start3A_18 : memref<640xf32, #tpu.memory_space<hbm>>) target(%arg12 : memref<640xf32, #tpu.memory_space<vmem>>) target_semaphore(%run_scoped3A : memref<!tpu.dma_semaphore, #tpu.memory_space<semaphore_mem>>)
      %dma_wait3A = tpu.memref_slice %arg5[%mul3A_0] : memref<10240xf32, #tpu.memory_space<hbm>> -> memref<640xf32, #tpu.memory_space<hbm>>
      %dma_wait3A_19 = tpu.memref_slice %arg5[%mul3A_0] : memref<10240xf32, #tpu.memory_space<hbm>> -> memref<640xf32, #tpu.memory_space<hbm>>
      tpu.wait_dma2 semaphore(%run_scoped3A : memref<!tpu.dma_semaphore, #tpu.memory_space<semaphore_mem>>) src(%dma_wait3A_19 : memref<640xf32, #tpu.memory_space<hbm>>) dst(%arg12 : memref<640xf32, #tpu.memory_space<vmem>>)
      tpu.yield
    }) : () -> ()
    "tpu.region"() ({
      %run_scoped3A = tpu.sem_alloc : memref<!tpu.dma_semaphore, #tpu.memory_space<semaphore_mem>>
      %dma_start3A = arith.constant 0 : i32
      %dma_start3A_18 = arith.constant 0 : i32
      %dma_start3A_19 = tpu.memref_slice %arg2[%arg0, %dma_start3A, %dma_start3A_18] : memref<2x10240x32xf32, #tpu.memory_space<hbm>> -> memref<1x10240x32xf32, #tpu.memory_space<hbm>>
      %dma_start3A_20 = tpu.memref_squeeze %dma_start3A_19 : memref<1x10240x32xf32, #tpu.memory_space<hbm>> -> memref<10240x32xf32, #tpu.memory_space<hbm>>
      %dma_start3A_21 = arith.constant 0 : i32
      %dma_start3A_22 = tpu.memref_slice %dma_start3A_20[%mul3A_0, %dma_start3A_21] : memref<10240x32xf32, #tpu.memory_space<hbm>> -> memref<640x32xf32, #tpu.memory_space<hbm>>
      %dma_start3A_23 = arith.constant 0 : i32
      %dma_start3A_24 = arith.constant 0 : i32
      %dma_start3A_25 = tpu.memref_slice %arg2[%arg0, %dma_start3A_23, %dma_start3A_24] : memref<2x10240x32xf32, #tpu.memory_space<hbm>> -> memref<1x10240x32xf32, #tpu.memory_space<hbm>>
      %dma_start3A_26 = tpu.memref_squeeze %dma_start3A_25 : memref<1x10240x32xf32, #tpu.memory_space<hbm>> -> memref<10240x32xf32, #tpu.memory_space<hbm>>
      %dma_start3A_27 = arith.constant 0 : i32
      %dma_start3A_28 = tpu.memref_slice %dma_start3A_26[%mul3A_0, %dma_start3A_27] : memref<10240x32xf32, #tpu.memory_space<hbm>> -> memref<640x32xf32, #tpu.memory_space<hbm>>
      tpu.enqueue_dma source(%dma_start3A_28 : memref<640x32xf32, #tpu.memory_space<hbm>>) target(%arg11 : memref<640x32xf32, #tpu.memory_space<vmem>>) target_semaphore(%run_scoped3A : memref<!tpu.dma_semaphore, #tpu.memory_space<semaphore_mem>>)
      %dma_wait3A = arith.constant 0 : i32
      %dma_wait3A_29 = arith.constant 0 : i32
      %dma_wait3A_30 = tpu.memref_slice %arg2[%arg0, %dma_wait3A, %dma_wait3A_29] : memref<2x10240x32xf32, #tpu.memory_space<hbm>> -> memref<1x10240x32xf32, #tpu.memory_space<hbm>>
      %dma_wait3A_31 = tpu.memref_squeeze %dma_wait3A_30 : memref<1x10240x32xf32, #tpu.memory_space<hbm>> -> memref<10240x32xf32, #tpu.memory_space<hbm>>
      %dma_wait3A_32 = arith.constant 0 : i32
      %dma_wait3A_33 = tpu.memref_slice %dma_wait3A_31[%mul3A_0, %dma_wait3A_32] : memref<10240x32xf32, #tpu.memory_space<hbm>> -> memref<640x32xf32, #tpu.memory_space<hbm>>
      %dma_wait3A_34 = arith.constant 0 : i32
      %dma_wait3A_35 = arith.constant 0 : i32
      %dma_wait3A_36 = tpu.memref_slice %arg2[%arg0, %dma_wait3A_34, %dma_wait3A_35] : memref<2x10240x32xf32, #tpu.memory_space<hbm>> -> memref<1x10240x32xf32, #tpu.memory_space<hbm>>
      %dma_wait3A_37 = tpu.memref_squeeze %dma_wait3A_36 : memref<1x10240x32xf32, #tpu.memory_space<hbm>> -> memref<10240x32xf32, #tpu.memory_space<hbm>>
      %dma_wait3A_38 = arith.constant 0 : i32
      %dma_wait3A_39 = tpu.memref_slice %dma_wait3A_37[%mul3A_0, %dma_wait3A_38] : memref<10240x32xf32, #tpu.memory_space<hbm>> -> memref<640x32xf32, #tpu.memory_space<hbm>>
      tpu.wait_dma2 semaphore(%run_scoped3A : memref<!tpu.dma_semaphore, #tpu.memory_space<semaphore_mem>>) src(%dma_wait3A_39 : memref<640x32xf32, #tpu.memory_space<hbm>>) dst(%arg11 : memref<640x32xf32, #tpu.memory_space<vmem>>)
      tpu.yield
    }) : () -> ()
    "tpu.region"() ({
      %run_scoped3A = tpu.sem_alloc : memref<!tpu.dma_semaphore, #tpu.memory_space<semaphore_mem>>
      %dma_start3A = arith.constant 0 : i32
      %dma_start3A_18 = tpu.memref_slice %arg13[%mul3A_0, %dma_start3A] : memref<10240x32xf32, #tpu.memory_space<vmem_shared>> -> memref<640x32xf32, #tpu.memory_space<vmem_shared>>
      %dma_start3A_19 = arith.constant 0 : i32
      %dma_start3A_20 = tpu.memref_slice %arg13[%mul3A_0, %dma_start3A_19] : memref<10240x32xf32, #tpu.memory_space<vmem_shared>> -> memref<640x32xf32, #tpu.memory_space<vmem_shared>>
      tpu.enqueue_dma source(%arg11 : memref<640x32xf32, #tpu.memory_space<vmem>>) target(%dma_start3A_20 : memref<640x32xf32, #tpu.memory_space<vmem_shared>>) target_semaphore(%run_scoped3A : memref<!tpu.dma_semaphore, #tpu.memory_space<semaphore_mem>>)
      %dma_wait3A = arith.constant 0 : i32
      %dma_wait3A_21 = tpu.memref_slice %arg13[%mul3A_0, %dma_wait3A] : memref<10240x32xf32, #tpu.memory_space<vmem_shared>> -> memref<640x32xf32, #tpu.memory_space<vmem_shared>>
      %dma_wait3A_22 = arith.constant 0 : i32
      %dma_wait3A_23 = tpu.memref_slice %arg13[%mul3A_0, %dma_wait3A_22] : memref<10240x32xf32, #tpu.memory_space<vmem_shared>> -> memref<640x32xf32, #tpu.memory_space<vmem_shared>>
      tpu.wait_dma2 semaphore(%run_scoped3A : memref<!tpu.dma_semaphore, #tpu.memory_space<semaphore_mem>>) src(%arg11 : memref<640x32xf32, #tpu.memory_space<vmem>>) dst(%dma_wait3A_23 : memref<640x32xf32, #tpu.memory_space<vmem_shared>>)
      tpu.yield
    }) : () -> ()
    %barrier3A = arith.constant 0 : index
    tpu.barrier barrier_id(%barrier3A)
    %scan3A = arith.constant 0 : i32
    %scan3A_1 = arith.constant 250 : i32
    %scan3A_2 = arith.addi %scan3A, %scan3A_1 : i32
    %scan3A_3 = arith.constant 1 : i32
    scf.for %scan3A_18 = %scan3A to %scan3A_2 step %scan3A_3  : i32 {
      "tpu.region"() ({
        %run_scoped3A = tpu.sem_alloc : memref<!tpu.dma_semaphore, #tpu.memory_space<semaphore_mem>>
        %dma_start3A = arith.constant 0 : i32
        %dma_start3A_19 = tpu.memref_slice %arg8[%scan3A_18, %dma_start3A] : memref<250x80xi32, #tpu.memory_space<vmem>> -> memref<1x80xi32, #tpu.memory_space<vmem>>
        %dma_start3A_20 = tpu.memref_squeeze %dma_start3A_19 : memref<1x80xi32, #tpu.memory_space<vmem>> -> memref<80xi32, #tpu.memory_space<vmem>>
        %dma_start3A_21 = arith.constant 0 : i32
        %dma_start3A_22 = arith.constant 0 : i32
        %dma_start3A_23 = tpu.memref_slice %arg2[%arg0, %dma_start3A_21, %dma_start3A_22] : memref<2x10240x32xf32, #tpu.memory_space<hbm>> -> memref<1x10240x32xf32, #tpu.memory_space<hbm>>
        %dma_start3A_24 = tpu.memref_squeeze %dma_start3A_23 : memref<1x10240x32xf32, #tpu.memory_space<hbm>> -> memref<10240x32xf32, #tpu.memory_space<hbm>>
        %dma_start3A_25 = arith.constant 0 : i32
        %dma_start3A_26 = arith.constant 0 : i32
        %dma_start3A_27 = tpu.memref_slice %dma_start3A_24[%dma_start3A_25, %dma_start3A_26] : memref<10240x32xf32, #tpu.memory_space<hbm>> -> memref<10240x32xf32, #tpu.memory_space<hbm>>
        tpu.enqueue_indirect_dma source(%dma_start3A_27 : memref<10240x32xf32, #tpu.memory_space<hbm>>) target(%arg10 : memref<80x32xf32, #tpu.memory_space<vmem>>) offsets(%dma_start3A_20 : memref<80xi32, #tpu.memory_space<vmem>>) semaphore(%run_scoped3A : memref<!tpu.dma_semaphore, #tpu.memory_space<semaphore_mem>>)
        %dma_wait3A = arith.constant 0 : i32
        %dma_wait3A_28 = tpu.memref_slice %arg8[%scan3A_18, %dma_wait3A] : memref<250x80xi32, #tpu.memory_space<vmem>> -> memref<1x80xi32, #tpu.memory_space<vmem>>
        %dma_wait3A_29 = tpu.memref_squeeze %dma_wait3A_28 : memref<1x80xi32, #tpu.memory_space<vmem>> -> memref<80xi32, #tpu.memory_space<vmem>>
        %dma_wait3A_30 = arith.constant 0 : i32
        %dma_wait3A_31 = arith.constant 0 : i32
        %dma_wait3A_32 = tpu.memref_slice %arg2[%arg0, %dma_wait3A_30, %dma_wait3A_31] : memref<2x10240x32xf32, #tpu.memory_space<hbm>> -> memref<1x10240x32xf32, #tpu.memory_space<hbm>>
        %dma_wait3A_33 = tpu.memref_squeeze %dma_wait3A_32 : memref<1x10240x32xf32, #tpu.memory_space<hbm>> -> memref<10240x32xf32, #tpu.memory_space<hbm>>
        %dma_wait3A_34 = arith.constant 0 : i32
        %dma_wait3A_35 = arith.constant 0 : i32
        %dma_wait3A_36 = tpu.memref_slice %dma_wait3A_33[%dma_wait3A_34, %dma_wait3A_35] : memref<10240x32xf32, #tpu.memory_space<hbm>> -> memref<10240x32xf32, #tpu.memory_space<hbm>>
        tpu.wait_indirect_dma semaphore(%run_scoped3A : memref<!tpu.dma_semaphore, #tpu.memory_space<semaphore_mem>>) src(%dma_wait3A_36 : memref<10240x32xf32, #tpu.memory_space<hbm>>) dst(%arg10 : memref<80x32xf32, #tpu.memory_space<vmem>>)
        tpu.yield
      }) : () -> ()
      "tpu.region"() ({
        %run_scoped3A = tpu.sem_alloc : memref<!tpu.dma_semaphore, #tpu.memory_space<semaphore_mem>>
        %dma_start3A = arith.constant 0 : i32
        %dma_start3A_19 = tpu.memref_slice %arg9[%scan3A_18, %dma_start3A] : memref<250x80xi32, #tpu.memory_space<vmem>> -> memref<1x80xi32, #tpu.memory_space<vmem>>
        %dma_start3A_20 = tpu.memref_squeeze %dma_start3A_19 : memref<1x80xi32, #tpu.memory_space<vmem>> -> memref<80xi32, #tpu.memory_space<vmem>>
        %dma_start3A_21 = arith.constant 0 : i32
        %dma_start3A_22 = arith.constant 0 : i32
        %dma_start3A_23 = tpu.memref_slice %arg13[%dma_start3A_21, %dma_start3A_22] : memref<10240x32xf32, #tpu.memory_space<vmem_shared>> -> memref<10240x32xf32, #tpu.memory_space<vmem_shared>>
        tpu.enqueue_indirect_dma source(%arg10 : memref<80x32xf32, #tpu.memory_space<vmem>>) target(%dma_start3A_23 : memref<10240x32xf32, #tpu.memory_space<vmem_shared>>) offsets(%dma_start3A_20 : memref<80xi32, #tpu.memory_space<vmem>>) semaphore(%run_scoped3A : memref<!tpu.dma_semaphore, #tpu.memory_space<semaphore_mem>>) {add = true}
        %dma_wait3A = arith.constant 0 : i32
        %dma_wait3A_24 = tpu.memref_slice %arg9[%scan3A_18, %dma_wait3A] : memref<250x80xi32, #tpu.memory_space<vmem>> -> memref<1x80xi32, #tpu.memory_space<vmem>>
        %dma_wait3A_25 = tpu.memref_squeeze %dma_wait3A_24 : memref<1x80xi32, #tpu.memory_space<vmem>> -> memref<80xi32, #tpu.memory_space<vmem>>
        %dma_wait3A_26 = arith.constant 0 : i32
        %dma_wait3A_27 = arith.constant 0 : i32
        %dma_wait3A_28 = tpu.memref_slice %arg13[%dma_wait3A_26, %dma_wait3A_27] : memref<10240x32xf32, #tpu.memory_space<vmem_shared>> -> memref<10240x32xf32, #tpu.memory_space<vmem_shared>>
        tpu.wait_indirect_dma semaphore(%run_scoped3A : memref<!tpu.dma_semaphore, #tpu.memory_space<semaphore_mem>>) src(%arg10 : memref<80x32xf32, #tpu.memory_space<vmem>>) dst(%dma_wait3A_28 : memref<10240x32xf32, #tpu.memory_space<vmem_shared>>)
        tpu.yield
      }) : () -> ()
    }
    %scan3A_4 = arith.constant 250 : i32
    %barrier3A_5 = arith.constant 0 : index
    tpu.barrier barrier_id(%barrier3A_5)
    "tpu.region"() ({
      %run_scoped3A = tpu.sem_alloc : memref<!tpu.dma_semaphore, #tpu.memory_space<semaphore_mem>>
      %dma_start3A = arith.constant 0 : i32
      %dma_start3A_18 = tpu.memref_slice %arg13[%mul3A_0, %dma_start3A] : memref<10240x32xf32, #tpu.memory_space<vmem_shared>> -> memref<640x32xf32, #tpu.memory_space<vmem_shared>>
      %dma_start3A_19 = arith.constant 0 : i32
      %dma_start3A_20 = tpu.memref_slice %arg13[%mul3A_0, %dma_start3A_19] : memref<10240x32xf32, #tpu.memory_space<vmem_shared>> -> memref<640x32xf32, #tpu.memory_space<vmem_shared>>
      tpu.enqueue_dma source(%dma_start3A_20 : memref<640x32xf32, #tpu.memory_space<vmem_shared>>) target(%arg11 : memref<640x32xf32, #tpu.memory_space<vmem>>) target_semaphore(%run_scoped3A : memref<!tpu.dma_semaphore, #tpu.memory_space<semaphore_mem>>)
      %dma_wait3A = arith.constant 0 : i32
      %dma_wait3A_21 = tpu.memref_slice %arg13[%mul3A_0, %dma_wait3A] : memref<10240x32xf32, #tpu.memory_space<vmem_shared>> -> memref<640x32xf32, #tpu.memory_space<vmem_shared>>
      %dma_wait3A_22 = arith.constant 0 : i32
      %dma_wait3A_23 = tpu.memref_slice %arg13[%mul3A_0, %dma_wait3A_22] : memref<10240x32xf32, #tpu.memory_space<vmem_shared>> -> memref<640x32xf32, #tpu.memory_space<vmem_shared>>
      tpu.wait_dma2 semaphore(%run_scoped3A : memref<!tpu.dma_semaphore, #tpu.memory_space<semaphore_mem>>) src(%dma_wait3A_23 : memref<640x32xf32, #tpu.memory_space<vmem_shared>>) dst(%arg11 : memref<640x32xf32, #tpu.memory_space<vmem>>)
      tpu.yield
    }) : () -> ()
    %scan3A_6 = arith.constant 0 : i32
    %scan3A_7 = arith.constant 640 : i32
    %scan3A_8 = arith.addi %scan3A_6, %scan3A_7 : i32
    %scan3A_9 = arith.constant 1 : i32
    scf.for %scan3A_18 = %scan3A_6 to %scan3A_8 step %scan3A_9  : i32 {
      %broadcast_in_dim3A = vector.broadcast %scan3A_18 : i32 to vector<16xi32>
      %gather3A = tpu.vector_load_idx %arg12[%broadcast_in_dim3A] : memref<640xf32, #tpu.memory_space<vmem>>[vector<16xi32>], vector<16xf32>,
      %get3A = arith.index_cast %scan3A_18 : i32 to index
      %get3A_19 = arith.constant 0 : index
      %get3A_20 = tpu.vector_load %arg11[%get3A, %get3A_19] {strides = array<i32>} : memref<640x32xf32, #tpu.memory_space<vmem>>, vector<16xf32>,
      %mul3A_21 = arith.mulf %get3A_20, %gather3A : vector<16xf32>
      %swap3A = arith.index_cast %scan3A_18 : i32 to index
      %swap3A_22 = arith.constant 0 : index
      %swap3A_23 = tpu.vector_load %arg11[%swap3A, %swap3A_22] {strides = array<i32>} : memref<640x32xf32, #tpu.memory_space<vmem>>, vector<16xf32>,
      tpu.vector_store %arg11[%swap3A, %swap3A_22], %mul3A_21 {strides = array<i32>} : memref<640x32xf32, #tpu.memory_space<vmem>>, vector<16xf32>,
      %get3A_24 = arith.index_cast %scan3A_18 : i32 to index
      %get3A_25 = arith.constant 16 : index
      %get3A_26 = tpu.vector_load %arg11[%get3A_24, %get3A_25] {strides = array<i32>} : memref<640x32xf32, #tpu.memory_space<vmem>>, vector<16xf32>,
      %mul3A_27 = arith.mulf %get3A_26, %gather3A : vector<16xf32>
      %swap3A_28 = arith.index_cast %scan3A_18 : i32 to index
      %swap3A_29 = arith.constant 16 : index
      %swap3A_30 = tpu.vector_load %arg11[%swap3A_28, %swap3A_29] {strides = array<i32>} : memref<640x32xf32, #tpu.memory_space<vmem>>, vector<16xf32>,
      tpu.vector_store %arg11[%swap3A_28, %swap3A_29], %mul3A_27 {strides = array<i32>} : memref<640x32xf32, #tpu.memory_space<vmem>>, vector<16xf32>,
    }
    %scan3A_10 = arith.constant 640 : i32
    "tpu.region"() ({
      %run_scoped3A = tpu.sem_alloc : memref<!tpu.dma_semaphore, #tpu.memory_space<semaphore_mem>>
      %dma_start3A = arith.constant 0 : i32
      %dma_start3A_18 = arith.constant 0 : i32
      %dma_start3A_19 = tpu.memref_slice %arg7[%arg0, %dma_start3A, %dma_start3A_18] : memref<2x10240x32xf32, #tpu.memory_space<hbm>> -> memref<1x10240x32xf32, #tpu.memory_space<hbm>>
      %dma_start3A_20 = tpu.memref_squeeze %dma_start3A_19 : memref<1x10240x32xf32, #tpu.memory_space<hbm>> -> memref<10240x32xf32, #tpu.memory_space<hbm>>
      %dma_start3A_21 = arith.constant 0 : i32
      %dma_start3A_22 = tpu.memref_slice %dma_start3A_20[%mul3A_0, %dma_start3A_21] : memref<10240x32xf32, #tpu.memory_space<hbm>> -> memref<640x32xf32, #tpu.memory_space<hbm>>
      %dma_start3A_23 = arith.constant 0 : i32
      %dma_start3A_24 = arith.constant 0 : i32
      %dma_start3A_25 = tpu.memref_slice %arg7[%arg0, %dma_start3A_23, %dma_start3A_24] : memref<2x10240x32xf32, #tpu.memory_space<hbm>> -> memref<1x10240x32xf32, #tpu.memory_space<hbm>>
      %dma_start3A_26 = tpu.memref_squeeze %dma_start3A_25 : memref<1x10240x32xf32, #tpu.memory_space<hbm>> -> memref<10240x32xf32, #tpu.memory_space<hbm>>
      %dma_start3A_27 = arith.constant 0 : i32
      %dma_start3A_28 = tpu.memref_slice %dma_start3A_26[%mul3A_0, %dma_start3A_27] : memref<10240x32xf32, #tpu.memory_space<hbm>> -> memref<640x32xf32, #tpu.memory_space<hbm>>
      tpu.enqueue_dma source(%arg11 : memref<640x32xf32, #tpu.memory_space<vmem>>) target(%dma_start3A_28 : memref<640x32xf32, #tpu.memory_space<hbm>>) target_semaphore(%run_scoped3A : memref<!tpu.dma_semaphore, #tpu.memory_space<semaphore_mem>>)
      %dma_wait3A = arith.constant 0 : i32
      %dma_wait3A_29 = arith.constant 0 : i32
      %dma_wait3A_30 = tpu.memref_slice %arg7[%arg0, %dma_wait3A, %dma_wait3A_29] : memref<2x10240x32xf32, #tpu.memory_space<hbm>> -> memref<1x10240x32xf32, #tpu.memory_space<hbm>>
      %dma_wait3A_31 = tpu.memref_squeeze %dma_wait3A_30 : memref<1x10240x32xf32, #tpu.memory_space<hbm>> -> memref<10240x32xf32, #tpu.memory_space<hbm>>
      %dma_wait3A_32 = arith.constant 0 : i32
      %dma_wait3A_33 = tpu.memref_slice %dma_wait3A_31[%mul3A_0, %dma_wait3A_32] : memref<10240x32xf32, #tpu.memory_space<hbm>> -> memref<640x32xf32, #tpu.memory_space<hbm>>
      %dma_wait3A_34 = arith.constant 0 : i32
      %dma_wait3A_35 = arith.constant 0 : i32
      %dma_wait3A_36 = tpu.memref_slice %arg7[%arg0, %dma_wait3A_34, %dma_wait3A_35] : memref<2x10240x32xf32, #tpu.memory_space<hbm>> -> memref<1x10240x32xf32, #tpu.memory_space<hbm>>
      %dma_wait3A_37 = tpu.memref_squeeze %dma_wait3A_36 : memref<1x10240x32xf32, #tpu.memory_space<hbm>> -> memref<10240x32xf32, #tpu.memory_space<hbm>>
      %dma_wait3A_38 = arith.constant 0 : i32
      %dma_wait3A_39 = tpu.memref_slice %dma_wait3A_37[%mul3A_0, %dma_wait3A_38] : memref<10240x32xf32, #tpu.memory_space<hbm>> -> memref<640x32xf32, #tpu.memory_space<hbm>>
      tpu.wait_dma2 semaphore(%run_scoped3A : memref<!tpu.dma_semaphore, #tpu.memory_space<semaphore_mem>>) src(%arg11 : memref<640x32xf32, #tpu.memory_space<vmem>>) dst(%dma_wait3A_39 : memref<640x32xf32, #tpu.memory_space<hbm>>)
      tpu.yield
    }) : () -> ()
    "tpu.region"() ({
      %run_scoped3A = tpu.sem_alloc : memref<!tpu.dma_semaphore, #tpu.memory_space<semaphore_mem>>
      %dma_start3A = arith.constant 0 : i32
      %dma_start3A_18 = tpu.memref_slice %arg13[%mul3A_0, %dma_start3A] : memref<10240x32xf32, #tpu.memory_space<vmem_shared>> -> memref<640x32xf32, #tpu.memory_space<vmem_shared>>
      %dma_start3A_19 = arith.constant 0 : i32
      %dma_start3A_20 = tpu.memref_slice %arg13[%mul3A_0, %dma_start3A_19] : memref<10240x32xf32, #tpu.memory_space<vmem_shared>> -> memref<640x32xf32, #tpu.memory_space<vmem_shared>>
      tpu.enqueue_dma source(%arg11 : memref<640x32xf32, #tpu.memory_space<vmem>>) target(%dma_start3A_20 : memref<640x32xf32, #tpu.memory_space<vmem_shared>>) target_semaphore(%run_scoped3A : memref<!tpu.dma_semaphore, #tpu.memory_space<semaphore_mem>>)
      %dma_wait3A = arith.constant 0 : i32
      %dma_wait3A_21 = tpu.memref_slice %arg13[%mul3A_0, %dma_wait3A] : memref<10240x32xf32, #tpu.memory_space<vmem_shared>> -> memref<640x32xf32, #tpu.memory_space<vmem_shared>>
      %dma_wait3A_22 = arith.constant 0 : i32
      %dma_wait3A_23 = tpu.memref_slice %arg13[%mul3A_0, %dma_wait3A_22] : memref<10240x32xf32, #tpu.memory_space<vmem_shared>> -> memref<640x32xf32, #tpu.memory_space<vmem_shared>>
      tpu.wait_dma2 semaphore(%run_scoped3A : memref<!tpu.dma_semaphore, #tpu.memory_space<semaphore_mem>>) src(%arg11 : memref<640x32xf32, #tpu.memory_space<vmem>>) dst(%dma_wait3A_23 : memref<640x32xf32, #tpu.memory_space<vmem_shared>>)
      tpu.yield
    }) : () -> ()
    %barrier3A_11 = arith.constant 0 : index
    tpu.barrier barrier_id(%barrier3A_11)
    %scan3A_12 = arith.constant 0 : i32
    %scan3A_13 = arith.constant 250 : i32
    %scan3A_14 = arith.addi %scan3A_12, %scan3A_13 : i32
    %scan3A_15 = arith.constant 1 : i32
    scf.for %scan3A_18 = %scan3A_12 to %scan3A_14 step %scan3A_15  : i32 {
      "tpu.region"() ({
        %run_scoped3A = tpu.sem_alloc : memref<!tpu.dma_semaphore, #tpu.memory_space<semaphore_mem>>
        %dma_start3A = arith.constant 0 : i32
        %dma_start3A_19 = tpu.memref_slice %arg8[%scan3A_18, %dma_start3A] : memref<250x80xi32, #tpu.memory_space<vmem>> -> memref<1x80xi32, #tpu.memory_space<vmem>>
        %dma_start3A_20 = tpu.memref_squeeze %dma_start3A_19 : memref<1x80xi32, #tpu.memory_space<vmem>> -> memref<80xi32, #tpu.memory_space<vmem>>
        %dma_start3A_21 = arith.constant 0 : i32
        %dma_start3A_22 = arith.constant 0 : i32
        %dma_start3A_23 = tpu.memref_slice %arg7[%arg0, %dma_start3A_21, %dma_start3A_22] : memref<2x10240x32xf32, #tpu.memory_space<hbm>> -> memref<1x10240x32xf32, #tpu.memory_space<hbm>>
        %dma_start3A_24 = tpu.memref_squeeze %dma_start3A_23 : memref<1x10240x32xf32, #tpu.memory_space<hbm>> -> memref<10240x32xf32, #tpu.memory_space<hbm>>
        %dma_start3A_25 = arith.constant 0 : i32
        %dma_start3A_26 = arith.constant 0 : i32
        %dma_start3A_27 = tpu.memref_slice %dma_start3A_24[%dma_start3A_25, %dma_start3A_26] : memref<10240x32xf32, #tpu.memory_space<hbm>> -> memref<10240x32xf32, #tpu.memory_space<hbm>>
        tpu.enqueue_indirect_dma source(%dma_start3A_27 : memref<10240x32xf32, #tpu.memory_space<hbm>>) target(%arg10 : memref<80x32xf32, #tpu.memory_space<vmem>>) offsets(%dma_start3A_20 : memref<80xi32, #tpu.memory_space<vmem>>) semaphore(%run_scoped3A : memref<!tpu.dma_semaphore, #tpu.memory_space<semaphore_mem>>)
        %dma_wait3A = arith.constant 0 : i32
        %dma_wait3A_28 = tpu.memref_slice %arg8[%scan3A_18, %dma_wait3A] : memref<250x80xi32, #tpu.memory_space<vmem>> -> memref<1x80xi32, #tpu.memory_space<vmem>>
        %dma_wait3A_29 = tpu.memref_squeeze %dma_wait3A_28 : memref<1x80xi32, #tpu.memory_space<vmem>> -> memref<80xi32, #tpu.memory_space<vmem>>
        %dma_wait3A_30 = arith.constant 0 : i32
        %dma_wait3A_31 = arith.constant 0 : i32
        %dma_wait3A_32 = tpu.memref_slice %arg7[%arg0, %dma_wait3A_30, %dma_wait3A_31] : memref<2x10240x32xf32, #tpu.memory_space<hbm>> -> memref<1x10240x32xf32, #tpu.memory_space<hbm>>
        %dma_wait3A_33 = tpu.memref_squeeze %dma_wait3A_32 : memref<1x10240x32xf32, #tpu.memory_space<hbm>> -> memref<10240x32xf32, #tpu.memory_space<hbm>>
        %dma_wait3A_34 = arith.constant 0 : i32
        %dma_wait3A_35 = arith.constant 0 : i32
        %dma_wait3A_36 = tpu.memref_slice %dma_wait3A_33[%dma_wait3A_34, %dma_wait3A_35] : memref<10240x32xf32, #tpu.memory_space<hbm>> -> memref<10240x32xf32, #tpu.memory_space<hbm>>
        tpu.wait_indirect_dma semaphore(%run_scoped3A : memref<!tpu.dma_semaphore, #tpu.memory_space<semaphore_mem>>) src(%dma_wait3A_36 : memref<10240x32xf32, #tpu.memory_space<hbm>>) dst(%arg10 : memref<80x32xf32, #tpu.memory_space<vmem>>)
        tpu.yield
      }) : () -> ()
      "tpu.region"() ({
        %run_scoped3A = tpu.sem_alloc : memref<!tpu.dma_semaphore, #tpu.memory_space<semaphore_mem>>
        %dma_start3A = arith.constant 0 : i32
        %dma_start3A_19 = tpu.memref_slice %arg9[%scan3A_18, %dma_start3A] : memref<250x80xi32, #tpu.memory_space<vmem>> -> memref<1x80xi32, #tpu.memory_space<vmem>>
        %dma_start3A_20 = tpu.memref_squeeze %dma_start3A_19 : memref<1x80xi32, #tpu.memory_space<vmem>> -> memref<80xi32, #tpu.memory_space<vmem>>
        %dma_start3A_21 = arith.constant 0 : i32
        %dma_start3A_22 = arith.constant 0 : i32
        %dma_start3A_23 = tpu.memref_slice %arg13[%dma_start3A_21, %dma_start3A_22] : memref<10240x32xf32, #tpu.memory_space<vmem_shared>> -> memref<10240x32xf32, #tpu.memory_space<vmem_shared>>
        tpu.enqueue_indirect_dma source(%arg10 : memref<80x32xf32, #tpu.memory_space<vmem>>) target(%dma_start3A_23 : memref<10240x32xf32, #tpu.memory_space<vmem_shared>>) offsets(%dma_start3A_20 : memref<80xi32, #tpu.memory_space<vmem>>) semaphore(%run_scoped3A : memref<!tpu.dma_semaphore, #tpu.memory_space<semaphore_mem>>) {add = true}
        %dma_wait3A = arith.constant 0 : i32
        %dma_wait3A_24 = tpu.memref_slice %arg9[%scan3A_18, %dma_wait3A] : memref<250x80xi32, #tpu.memory_space<vmem>> -> memref<1x80xi32, #tpu.memory_space<vmem>>
        %dma_wait3A_25 = tpu.memref_squeeze %dma_wait3A_24 : memref<1x80xi32, #tpu.memory_space<vmem>> -> memref<80xi32, #tpu.memory_space<vmem>>
        %dma_wait3A_26 = arith.constant 0 : i32
        %dma_wait3A_27 = arith.constant 0 : i32
        %dma_wait3A_28 = tpu.memref_slice %arg13[%dma_wait3A_26, %dma_wait3A_27] : memref<10240x32xf32, #tpu.memory_space<vmem_shared>> -> memref<10240x32xf32, #tpu.memory_space<vmem_shared>>
        tpu.wait_indirect_dma semaphore(%run_scoped3A : memref<!tpu.dma_semaphore, #tpu.memory_space<semaphore_mem>>) src(%arg10 : memref<80x32xf32, #tpu.memory_space<vmem>>) dst(%dma_wait3A_28 : memref<10240x32xf32, #tpu.memory_space<vmem_shared>>)
        tpu.yield
      }) : () -> ()
    }
    %scan3A_16 = arith.constant 250 : i32
    %barrier3A_17 = arith.constant 0 : index
    tpu.barrier barrier_id(%barrier3A_17)
    "tpu.region"() ({
      %run_scoped3A = tpu.sem_alloc : memref<!tpu.dma_semaphore, #tpu.memory_space<semaphore_mem>>
      %dma_start3A = arith.constant 0 : i32
      %dma_start3A_18 = tpu.memref_slice %arg13[%mul3A_0, %dma_start3A] : memref<10240x32xf32, #tpu.memory_space<vmem_shared>> -> memref<640x32xf32, #tpu.memory_space<vmem_shared>>
      %dma_start3A_19 = arith.constant 0 : i32
      %dma_start3A_20 = tpu.memref_slice %arg13[%mul3A_0, %dma_start3A_19] : memref<10240x32xf32, #tpu.memory_space<vmem_shared>> -> memref<640x32xf32, #tpu.memory_space<vmem_shared>>
      tpu.enqueue_dma source(%dma_start3A_20 : memref<640x32xf32, #tpu.memory_space<vmem_shared>>) target(%arg11 : memref<640x32xf32, #tpu.memory_space<vmem>>) target_semaphore(%run_scoped3A : memref<!tpu.dma_semaphore, #tpu.memory_space<semaphore_mem>>)
      %dma_wait3A = arith.constant 0 : i32
      %dma_wait3A_21 = tpu.memref_slice %arg13[%mul3A_0, %dma_wait3A] : memref<10240x32xf32, #tpu.memory_space<vmem_shared>> -> memref<640x32xf32, #tpu.memory_space<vmem_shared>>
      %dma_wait3A_22 = arith.constant 0 : i32
      %dma_wait3A_23 = tpu.memref_slice %arg13[%mul3A_0, %dma_wait3A_22] : memref<10240x32xf32, #tpu.memory_space<vmem_shared>> -> memref<640x32xf32, #tpu.memory_space<vmem_shared>>
      tpu.wait_dma2 semaphore(%run_scoped3A : memref<!tpu.dma_semaphore, #tpu.memory_space<semaphore_mem>>) src(%dma_wait3A_23 : memref<640x32xf32, #tpu.memory_space<vmem_shared>>) dst(%arg11 : memref<640x32xf32, #tpu.memory_space<vmem>>)
      tpu.yield
    }) : () -> ()
    "tpu.region"() ({
      %run_scoped3A = tpu.sem_alloc : memref<!tpu.dma_semaphore, #tpu.memory_space<semaphore_mem>>
      %dma_start3A = arith.constant 0 : i32
      %dma_start3A_18 = tpu.memref_slice %arg6[%arg0, %mul3A_0, %dma_start3A] : memref<2x10240x32xf32, #tpu.memory_space<hbm>> -> memref<1x640x32xf32, #tpu.memory_space<hbm>>
      %dma_start3A_19 = tpu.memref_squeeze %dma_start3A_18 : memref<1x640x32xf32, #tpu.memory_space<hbm>> -> memref<640x32xf32, #tpu.memory_space<hbm>>
      %dma_start3A_20 = arith.constant 0 : i32
      %dma_start3A_21 = tpu.memref_slice %arg6[%arg0, %mul3A_0, %dma_start3A_20] : memref<2x10240x32xf32, #tpu.memory_space<hbm>> -> memref<1x640x32xf32, #tpu.memory_space<hbm>>
      %dma_start3A_22 = tpu.memref_squeeze %dma_start3A_21 : memref<1x640x32xf32, #tpu.memory_space<hbm>> -> memref<640x32xf32, #tpu.memory_space<hbm>>
      tpu.enqueue_dma source(%arg11 : memref<640x32xf32, #tpu.memory_space<vmem>>) target(%dma_start3A_22 : memref<640x32xf32, #tpu.memory_space<hbm>>) target_semaphore(%run_scoped3A : memref<!tpu.dma_semaphore, #tpu.memory_space<semaphore_mem>>)
      %dma_wait3A = arith.constant 0 : i32
      %dma_wait3A_23 = tpu.memref_slice %arg6[%arg0, %mul3A_0, %dma_wait3A] : memref<2x10240x32xf32, #tpu.memory_space<hbm>> -> memref<1x640x32xf32, #tpu.memory_space<hbm>>
      %dma_wait3A_24 = tpu.memref_squeeze %dma_wait3A_23 : memref<1x640x32xf32, #tpu.memory_space<hbm>> -> memref<640x32xf32, #tpu.memory_space<hbm>>
      %dma_wait3A_25 = arith.constant 0 : i32
      %dma_wait3A_26 = tpu.memref_slice %arg6[%arg0, %mul3A_0, %dma_wait3A_25] : memref<2x10240x32xf32, #tpu.memory_space<hbm>> -> memref<1x640x32xf32, #tpu.memory_space<hbm>>
      %dma_wait3A_27 = tpu.memref_squeeze %dma_wait3A_26 : memref<1x640x32xf32, #tpu.memory_space<hbm>> -> memref<640x32xf32, #tpu.memory_space<hbm>>
      tpu.wait_dma2 semaphore(%run_scoped3A : memref<!tpu.dma_semaphore, #tpu.memory_space<semaphore_mem>>) src(%arg11 : memref<640x32xf32, #tpu.memory_space<vmem>>) dst(%dma_wait3A_27 : memref<640x32xf32, #tpu.memory_space<hbm>>)
      tpu.yield
    }) : () -> ()
    return
  }
}

module attributes {stable_mosaic.version = 14 : i64} {
  func.func @_tc_pre_body(%arg0: i32, %arg1: memref<256x128xf32, #tpu.memory_space<vmem>>, %arg2: memref<64x128xf32, #tpu.memory_space<vmem>>, %arg3: memref<2x256xf32, #tpu.memory_space<vmem>>, %arg4: memref<2x256x32xf32, #tpu.memory_space<vmem>>, %arg5: memref<256xf32, #tpu.memory_space<vmem>>, %arg6: memref<256xf32, #tpu.memory_space<vmem>>) attributes {dimension_semantics = [#tpu.dimension_semantics<arbitrary>], iteration_bounds = array<i64: 40>, scalar_prefetch = 0 : i64, scratch_operands = 0 : i64, tpu.core_type = #tpu.core_type<tc>, window_params = [{transform_indices = @transform_0, window_bounds = array<i64: 256, 128>}, {pipeline_mode = #tpu.pipeline_mode<synchronous>, transform_indices = @transform_1, window_bounds = array<i64: 64, 128>}, {transform_indices = @transform_2, window_bounds = array<i64: 2, 256>}, {transform_indices = @transform_3, window_bounds = array<i64: 2, 256, 32>}, {transform_indices = @transform_4, window_bounds = array<i64: 256>}, {transform_indices = @transform_5, window_bounds = array<i64: 256>}]} {
    %get3A = arith.constant 0 : index
    %get3A_0 = arith.constant 0 : index
    %get3A_1 = vector.load %arg3[%get3A, %get3A_0] : memref<2x256xf32, #tpu.memory_space<vmem>>, vector<1x256xf32>
    %get3A_2 = vector.shape_cast %get3A_1 : vector<1x256xf32> to vector<256xf32>
    %get3A_3 = arith.constant 1 : index
    %get3A_4 = arith.constant 0 : index
    %get3A_5 = vector.load %arg3[%get3A_3, %get3A_4] : memref<2x256xf32, #tpu.memory_space<vmem>>, vector<1x256xf32>
    %get3A_6 = vector.shape_cast %get3A_5 : vector<1x256xf32> to vector<256xf32>
    %add3A = arith.addf %get3A_2, %get3A_6 : vector<256xf32>
    %rsqrt3A = math.rsqrt %add3A : vector<256xf32>
    %get3A_7 = arith.constant 0 : index
    %get3A_8 = arith.constant 0 : index
    %get3A_9 = vector.load %arg1[%get3A_7, %get3A_8] : memref<256x128xf32, #tpu.memory_space<vmem>>, vector<256x128xf32>
    %get3A_10 = arith.constant 0 : index
    %get3A_11 = arith.constant 0 : index
    %get3A_12 = vector.load %arg2[%get3A_10, %get3A_11] : memref<64x128xf32, #tpu.memory_space<vmem>>, vector<64x128xf32>
    %dot_general3A = arith.constant dense<0.000000e+00> : vector<256x64xf32>
    %dot_general3A_13 = tpu.matmul %get3A_9, %get3A_12, %dot_general3A {dimension_numbers = #tpu.dot_dimension_numbers<[1], [1], [0], [0], [0, 0, 1, 0], [], []>, transpose_lhs_hint = false} : vector<256x128xf32>, vector<64x128xf32>, vector<256x64xf32> -> vector<256x64xf32>
    %broadcast_in_dim3A = vector.shape_cast %rsqrt3A : vector<256xf32> to vector<256x1xf32>
    %mul3A = vector.broadcast %broadcast_in_dim3A : vector<256x1xf32> to vector<256x64xf32>
    %mul3A_14 = arith.mulf %dot_general3A_13, %mul3A : vector<256x64xf32>
    %slice3A = vector.extract_strided_slice %mul3A_14 {offsets = [0, 0], sizes = [256, 32], strides = [1, 1]} : vector<256x64xf32> to vector<256x32xf32>
    %swap3A = arith.constant 0 : index
    %swap3A_15 = arith.constant 0 : index
    %swap3A_16 = arith.constant 0 : index
    %swap3A_17 = vector.load %arg4[%swap3A, %swap3A_15, %swap3A_16] : memref<2x256x32xf32, #tpu.memory_space<vmem>>, vector<1x256x32xf32>
    %swap3A_18 = vector.shape_cast %swap3A_17 : vector<1x256x32xf32> to vector<256x32xf32>
    %swap3A_19 = vector.shape_cast %slice3A : vector<256x32xf32> to vector<1x256x32xf32>
    tpu.vector_store %arg4[%swap3A, %swap3A_15, %swap3A_16], %swap3A_19 {strides = array<i32>} : memref<2x256x32xf32, #tpu.memory_space<vmem>>, vector<1x256x32xf32>,
    %slice3A_20 = vector.extract_strided_slice %mul3A_14 {offsets = [0, 32], sizes = [256, 32], strides = [1, 1]} : vector<256x64xf32> to vector<256x32xf32>
    %swap3A_21 = arith.constant 1 : index
    %swap3A_22 = arith.constant 0 : index
    %swap3A_23 = arith.constant 0 : index
    %swap3A_24 = vector.load %arg4[%swap3A_21, %swap3A_22, %swap3A_23] : memref<2x256x32xf32, #tpu.memory_space<vmem>>, vector<1x256x32xf32>
    %swap3A_25 = vector.shape_cast %swap3A_24 : vector<1x256x32xf32> to vector<256x32xf32>
    %swap3A_26 = vector.shape_cast %slice3A_20 : vector<256x32xf32> to vector<1x256x32xf32>
    tpu.vector_store %arg4[%swap3A_21, %swap3A_22, %swap3A_23], %swap3A_26 {strides = array<i32>} : memref<2x256x32xf32, #tpu.memory_space<vmem>>, vector<1x256x32xf32>,
    %div3A = arith.constant 1.000000e+00 : f32
    %div3A_27 = vector.broadcast %div3A : f32 to vector<256xf32>
    %div3A_28 = arith.divf %div3A_27, %add3A : vector<256xf32>
    %swap3A_29 = arith.constant 0 : index
    %swap3A_30 = vector.load %arg5[%swap3A_29] : memref<256xf32, #tpu.memory_space<vmem>>, vector<256xf32>
    tpu.vector_store %arg5[%swap3A_29], %div3A_28 {strides = array<i32>} : memref<256xf32, #tpu.memory_space<vmem>>, vector<256xf32>,
    %swap3A_31 = arith.constant 0 : index
    %swap3A_32 = vector.load %arg6[%swap3A_31] : memref<256xf32, #tpu.memory_space<vmem>>, vector<256xf32>
    tpu.vector_store %arg6[%swap3A_31], %rsqrt3A {strides = array<i32>} : memref<256xf32, #tpu.memory_space<vmem>>, vector<256xf32>,
    return
  }
  func.func @transform_0(%arg0: i32) -> (i32, i32) {
    %c0_i32 = arith.constant 0 : i32
    %c0_i32_0 = arith.constant 0 : i32
    return %arg0, %c0_i32 : i32, i32
  }
  func.func @transform_1(%arg0: i32) -> (i32, i32) {
    %c0_i32 = arith.constant 0 : i32
    %c0_i32_0 = arith.constant 0 : i32
    %c0_i32_1 = arith.constant 0 : i32
    return %c0_i32, %c0_i32_0 : i32, i32
  }
  func.func @transform_2(%arg0: i32) -> (i32, i32) {
    %c0_i32 = arith.constant 0 : i32
    %c0_i32_0 = arith.constant 0 : i32
    return %c0_i32, %arg0 : i32, i32
  }
  func.func @transform_3(%arg0: i32) -> (i32, i32, i32) {
    %c0_i32 = arith.constant 0 : i32
    %c0_i32_0 = arith.constant 0 : i32
    %c0_i32_1 = arith.constant 0 : i32
    return %c0_i32, %arg0, %c0_i32_0 : i32, i32, i32
  }
  func.func @transform_4(%arg0: i32) -> i32 {
    %c0_i32 = arith.constant 0 : i32
    return %arg0 : i32
  }
  func.func @transform_5(%arg0: i32) -> i32 {
    %c0_i32 = arith.constant 0 : i32
    return %arg0 : i32
  }
}

module attributes {stable_mosaic.version = 14 : i64} {
  func.func @_tc_post_body(%arg0: i32, %arg1: memref<2x256x32xf32, #tpu.memory_space<vmem>>, %arg2: memref<256xf32, #tpu.memory_space<vmem>>, %arg3: memref<64xf32, #tpu.memory_space<vmem>>, %arg4: memref<256x64xf32, #tpu.memory_space<vmem>>) attributes {dimension_semantics = [#tpu.dimension_semantics<arbitrary>], iteration_bounds = array<i64: 40>, scalar_prefetch = 0 : i64, scratch_operands = 0 : i64, tpu.core_type = #tpu.core_type<tc>, window_params = [{transform_indices = @transform_0, window_bounds = array<i64: 2, 256, 32>}, {transform_indices = @transform_1, window_bounds = array<i64: 256>}, {pipeline_mode = #tpu.pipeline_mode<synchronous>, transform_indices = @transform_2, window_bounds = array<i64: 64>}, {transform_indices = @transform_3, window_bounds = array<i64: 256, 64>}]} {
    %get3A = arith.constant 0 : index
    %get3A_0 = arith.constant 0 : index
    %get3A_1 = arith.constant 0 : index
    %get3A_2 = vector.load %arg1[%get3A, %get3A_0, %get3A_1] : memref<2x256x32xf32, #tpu.memory_space<vmem>>, vector<1x256x32xf32>
    %get3A_3 = vector.shape_cast %get3A_2 : vector<1x256x32xf32> to vector<256x32xf32>
    %get3A_4 = arith.constant 1 : index
    %get3A_5 = arith.constant 0 : index
    %get3A_6 = arith.constant 0 : index
    %get3A_7 = vector.load %arg1[%get3A_4, %get3A_5, %get3A_6] : memref<2x256x32xf32, #tpu.memory_space<vmem>>, vector<1x256x32xf32>
    %get3A_8 = vector.shape_cast %get3A_7 : vector<1x256x32xf32> to vector<256x32xf32>
    %concatenate3A = tpu.concatenate %get3A_3, %get3A_8 in 1 : vector<256x32xf32>, vector<256x32xf32> -> vector<256x64xf32>
    %get3A_9 = arith.constant 0 : index
    %get3A_10 = vector.load %arg2[%get3A_9] : memref<256xf32, #tpu.memory_space<vmem>>, vector<256xf32>
    %broadcast_in_dim3A = vector.shape_cast %get3A_10 : vector<256xf32> to vector<256x1xf32>
    %mul3A = vector.broadcast %broadcast_in_dim3A : vector<256x1xf32> to vector<256x64xf32>
    %mul3A_11 = arith.mulf %concatenate3A, %mul3A : vector<256x64xf32>
    %get3A_12 = arith.constant 0 : index
    %get3A_13 = vector.load %arg3[%get3A_12] : memref<64xf32, #tpu.memory_space<vmem>>, vector<64xf32>
    %broadcast_in_dim3A_14 = vector.shape_cast %get3A_13 : vector<64xf32> to vector<1x64xf32>
    %add3A = vector.broadcast %broadcast_in_dim3A_14 : vector<1x64xf32> to vector<256x64xf32>
    %add3A_15 = arith.addf %mul3A_11, %add3A : vector<256x64xf32>
    %reduce_max3A = arith.constant dense<0xFF800000> : vector<256xf32>
    %reduce_max3A_16 = vector.multi_reduction <maximumf>, %add3A_15, %reduce_max3A [1] : vector<256x64xf32> to vector<256xf32>
    %broadcast_in_dim3A_17 = vector.shape_cast %reduce_max3A_16 : vector<256xf32> to vector<256x1xf32>
    %sub3A = vector.broadcast %broadcast_in_dim3A_17 : vector<256x1xf32> to vector<256x64xf32>
    %sub3A_18 = arith.subf %add3A_15, %sub3A : vector<256x64xf32>
    %exp3A = math.exp %sub3A_18 : vector<256x64xf32>
    %reduce_sum3A = arith.constant dense<0.000000e+00> : vector<256xf32>
    %reduce_sum3A_19 = vector.multi_reduction <add>, %exp3A, %reduce_sum3A [1] : vector<256x64xf32> to vector<256xf32>
    %broadcast_in_dim3A_20 = vector.shape_cast %reduce_sum3A_19 : vector<256xf32> to vector<256x1xf32>
    %log3A = math.log %broadcast_in_dim3A_20 : vector<256x1xf32>
    %sub3A_21 = vector.broadcast %log3A : vector<256x1xf32> to vector<256x64xf32>
    %sub3A_22 = arith.subf %sub3A_18, %sub3A_21 : vector<256x64xf32>
    %swap3A = arith.constant 0 : index
    %swap3A_23 = arith.constant 0 : index
    %swap3A_24 = vector.load %arg4[%swap3A, %swap3A_23] : memref<256x64xf32, #tpu.memory_space<vmem>>, vector<256x64xf32>
    tpu.vector_store %arg4[%swap3A, %swap3A_23], %sub3A_22 {strides = array<i32>} : memref<256x64xf32, #tpu.memory_space<vmem>>, vector<256x64xf32>,
    return
  }
  func.func @transform_0(%arg0: i32) -> (i32, i32, i32) {
    %c0_i32 = arith.constant 0 : i32
    %c0_i32_0 = arith.constant 0 : i32
    %c0_i32_1 = arith.constant 0 : i32
    return %c0_i32, %arg0, %c0_i32_0 : i32, i32, i32
  }
  func.func @transform_1(%arg0: i32) -> i32 {
    %c0_i32 = arith.constant 0 : i32
    return %arg0 : i32
  }
  func.func @transform_2(%arg0: i32) -> i32 {
    %c0_i32 = arith.constant 0 : i32
    %c0_i32_0 = arith.constant 0 : i32
    return %c0_i32 : i32
  }
  func.func @transform_3(%arg0: i32) -> (i32, i32) {
    %c0_i32 = arith.constant 0 : i32
    %c0_i32_0 = arith.constant 0 : i32
    return %arg0, %c0_i32 : i32, i32
  }
}

</mosaic_0001>

<sc_bundles>
// kernel: kernel.6.cloned.1.call-start
scs
__scs_entry_jumppad:
0x0: {  	(pc) =	sbr.rel $0x88, $3  }
0x1: {  	(tag) =	ssettag $0x0;
	lr =	simm.s32 $0x1  }
0x2: {  	[smem:$0x3F9D] =	sst lr;
	_ =	strace $0xD0000000  }
0x3: {  	_ = 	snop  }
0x4: {  	_ = 	snop  }
0x5: {  	_ = 	snop  }
0x6: {  	_ = 	snop  }
0x7: {  	_ = 	snop  }
__scs_overlays_trampoline_lowered:
0x8: {  	[smem:$0x3FAC] =	sst s0  }
0x9: {  	[smem:$0x3FAD] =	sst s1  }
0xa: {  	[smem:$0x3FAE] =	sst s2  }
0xb: {  	[smem:$0x3FAF] =	sst s3  }
0xc: {  	[smem:$0x3FB0] =	sst s4  }
0xd: {  	[smem:$0x3FB1] =	sst s5  }
0xe: {  	[smem:$0x3FB2] =	sst s6  }
0xf: {  	[smem:$0x3FB3] =	sst s7  }
0x10: {  	[smem:$0x3FB4] =	sst s8  }
0x11: {  	[smem:$0x3FB5] =	sst s9;
	s0 =	simm.s32 @!p0 $0x0  }
0x12: {  	s1 =	sld [smem:$0x3F9B];
	s0 =	simm.s32 @p0 $0x1  }
0x13: {  	[smem:$0x3FB6] =	sst s0;
	s0 =	simm.s32 @!p1 $0x0  }
0x14: {  	s2 =	sld [smem:$0x3F9A];
	s0 =	simm.s32 @p1 $0x1  }
0x15: {  	[smem:$0x3FB7] =	sst s0;
	s0 =	simm.s32 @!p2 $0x0  }
0x16: {  	s3 =	sld [smem:$0x3FDB];
	s0 =	simm.s32 @p2 $0x1  }
0x17: {  	s4 =	simm.s32 $0x1BF5;
	[smem:$0x3FB9] =	sst s0  }
0x18: {  	s0 =	sld [smem:$0x3F9C];
	_ =	swait.ge [sflag:s4], $0x0  }
0x19: {  	s7 =	sld [smem:$0x3F9D]  }
0x1a: {  	s8 =	sadd.s32 $0xFFFFE003, lr  }
0x1b: {  	s9 =	sadd.s32 $0xFFFFFEF7, lr;
	s5 =	simm.s32 $0xFFFFFFFF;
	p2 =	slt.u32 s8, $0xFFFFF086  }
0x1c: {  	p1 =	slt.u32 s9, $0xF7A;
	s5 =	simm.s32 @!p2 $0x0  }
0x1d: {  	s5 =	simm.s32 @p1 $0x1;
	p0 =	seq.s32 s7, s2  }
0x1e: {  	s7 =	smul.u32 @!p0 $0xF7A, s2;
	p2 =	seq.s32 @!p0 s5, $0x0  }
0x1f: {  	s9 =	smul.u32 $0xF7A, s1;
	s8 =	simm.s32 @!p0 $0x1BF5;
	p2 =	por !p2, p0  }
0x20: {  	[sflag:s8] =	ssyncset.s32 @!p0 $0xFFFFF086;
	s6 =	sadd.s32 @!p0 s3, s7;
	s7 =	simm.s32 @!p0 $0x108  }
0x21: {  	s3 =	sadd.s32 s3, s9;
	s6 =	sadd.s32 @!p0 $0x88, s6;
	s7 =	simm.s32 @p2 $0x1082  }
0x22: {  	[simem:s7], [sflag:s8] =	dma.local @!p0 [hbm:s6], $0xF7A  }
0x23: {  	s9 =	sor.u32 $0xD0000000, s2;
	s6 =	simm.s32 $0x108;
	_ =	swait.ge @!p0 [sflag:s8], $0x0  }
0x24: {  	s3 =	sadd.s32 $0x88, s3;
	s6 =	simm.s32 @!p1 $0x1082;
	[sflag:s4] =	ssyncset.s32 $0xFFFFF086  }
0x25: {  	[simem:s6], [sflag:s4] =	dma.local [hbm:s3], $0xF7A  }
0x26: {  	[smem:$0x3F9D] =	sst s1;
	(tag) =	ssettag s2;
	_ =	strace s9  }
0x27: {  	s1 =	sld [smem:$0x3FAD]  }
0x28: {  	s2 =	sld [smem:$0x3FAE]  }
0x29: {  	s4 =	sld [smem:$0x3FB0]  }
0x2a: {  	p0 =	seq.s32 s5, $0x0;
	s5 =	sld [smem:$0x3FB1]  }
0x2b: {  	s6 =	sld [smem:$0x3FB2]  }
0x2c: {  	s7 =	sld [smem:$0x3FB3]  }
0x2d: {  	s3 =	simm.s32 $0x108;
	s8 =	sld [smem:$0x3FB4]  }
0x2e: {  	s3 =	simm.s32 @!p0 $0x1082;
	s9 =	sld [smem:$0x3FB5]  }
0x2f: {  	lr =	sadd.s32 s0, s3;
	s0 =	sld [smem:$0x3FAC]  }
0x30: {  	s3 =	sld [smem:$0x3FAF]  }
0x31: {  	[smem:$0x3FB8] =	sst s10  }
0x32: {  	s10 =	sld [smem:$0x3FB6];
	_ =	sdelay $0x3  }
0x33: {  	p0 =	seq.s32 s10, $0x1;
	s10 =	sld [smem:$0x3FB8];
	_ =	sdelay $0x3  }
0x34: {  	[smem:$0x3FB8] =	sst s10  }
0x35: {  	s10 =	sld [smem:$0x3FB7];
	_ =	sdelay $0x3  }
0x36: {  	p1 =	seq.s32 s10, $0x1;
	s10 =	sld [smem:$0x3FB8];
	_ =	sdelay $0x3  }
0x37: {  	[smem:$0x3FB8] =	sst s10  }
0x38: {  	s10 =	sld [smem:$0x3FB9]  }
0x39: {  	_ = 	snop;
	(pc) =	sbr.ind lr, $3  }
0x3a: {  	_ = 	snop  }
0x3b: {  	_ = 	snop  }
0x3c: {  	p2 =	seq.s32 s10, $0x1;
	s10 =	sld [smem:$0x3FB8]  }
0x3d: {  	_ =	shalt  }
0x3e: {  	_ =	shalt  }
0x3f: {  	_ =	shalt  }
0x40: {  	_ =	shalt  }
0x41: {  	_ =	shalt  }
0x42: {  	_ =	shalt  }
0x43: {  	_ =	shalt  }
0x44: {  	_ =	shalt  }
0x45: {  	_ =	shalt  }
0x46: {  	_ =	shalt  }
0x47: {  	_ =	shalt  }
0x48: {  	_ =	shalt  }
0x49: {  	_ =	shalt  }
0x4a: {  	_ =	shalt  }
0x4b: {  	_ =	shalt  }
0x4c: {  	_ =	shalt  }
0x4d: {  	_ =	shalt  }
0x4e: {  	_ =	shalt  }
0x4f: {  	_ =	shalt  }
0x50: {  	_ =	shalt  }
0x51: {  	_ =	shalt  }
0x52: {  	_ =	shalt  }
0x53: {  	_ =	shalt  }
0x54: {  	_ =	shalt  }
0x55: {  	_ =	shalt  }
0x56: {  	_ =	shalt  }
0x57: {  	_ =	shalt  }
0x58: {  	_ =	shalt  }
0x59: {  	_ =	shalt  }
0x5a: {  	_ =	shalt  }
0x5b: {  	_ =	shalt  }
0x5c: {  	_ =	shalt  }
0x5d: {  	_ =	shalt  }
0x5e: {  	_ =	shalt  }
0x5f: {  	_ =	shalt  }
0x60: {  	_ =	shalt  }
0x61: {  	_ =	shalt  }
0x62: {  	_ =	shalt  }
0x63: {  	_ =	shalt  }
0x64: {  	_ =	shalt  }
0x65: {  	_ =	shalt  }
0x66: {  	_ =	shalt  }
0x67: {  	_ =	shalt  }
0x68: {  	_ =	shalt  }
0x69: {  	_ =	shalt  }
0x6a: {  	_ =	shalt  }
0x6b: {  	_ =	shalt  }
0x6c: {  	_ =	shalt  }
0x6d: {  	_ =	shalt  }
0x6e: {  	_ =	shalt  }
0x6f: {  	_ =	shalt  }
0x70: {  	_ =	shalt  }
0x71: {  	_ =	shalt  }
0x72: {  	_ =	shalt  }
0x73: {  	_ =	shalt  }
0x74: {  	_ =	shalt  }
0x75: {  	_ =	shalt  }
0x76: {  	_ =	shalt  }
0x77: {  	_ =	shalt  }
0x78: {  	_ =	shalt  }
0x79: {  	_ =	shalt  }
0x7a: {  	_ =	shalt  }
0x7b: {  	_ =	shalt  }
0x7c: {  	_ =	shalt  }
0x7d: {  	_ =	shalt  }
0x7e: {  	_ =	shalt  }
0x7f: {  	_ =	shalt  }
0x80: {  	_ =	shalt  }
0x81: {  	_ =	shalt  }
0x82: {  	_ =	shalt  }
0x83: {  	_ =	shalt  }
0x84: {  	_ =	shalt  }
0x85: {  	_ =	shalt  }
0x86: {  	_ =	shalt  }
0x87: {  	_ =	shalt  }
.Lfunc_end0:
.L_simem_size_0:
called_computation_lowered:
.L_overlay_start_0:
0x88: {  	s2 =	sld [smem:$0x3FD9]  }
0x89: {  	s3 =	sld [smem:$0x3FFE];
	_ =	sdelay $0x1  }
0x8a: {  	s1 =	srdreg.scid  }
0x8b: {  	s0 =	sand.u32 $0x1, s1  }
0x8c: {  	s17 =	sshll.u32 s0, $0xA;
	s2 =	sadd.s32 s3, s2  }
0x8d: {  	s2 =	sadd.s32 s2, s17  }
0x8e: {  	[smem:$0x3FC4] =	sst s2  }
0x8f: {  	_ = 	snop  }
0x90: {  	s2 =	sld [smem:$0x3FD0];
	(tm) =	ssettm $0x1  }
0x91: {  	s18 =	sld [smem:$0x3FFB];
	_ =	sdelay $0x3  }
0x92: {  	_ =	strace s18  }
0x93: {  	s3 =	sld [smem:$0x3FFC];
	_ =	sdelay $0x3  }
0x94: {  	_ =	strace s3  }
0x95: {  	s3 =	sld [smem:$0x3FFD];
	_ =	sdelay $0x3  }
0x96: {  	_ =	strace s3  }
0x97: {  	_ =	strace $0x8FFFFFFF  }
0x98: {  	s19 =	sld [smem:$0x3FDB];
	_ =	sdelay $0x1  }
0x99: {  	s4 =	simm.s32 $_scs_section_size  }
0x9a: {  	s5 =	simm.s32 $_size__tile_overlayer_lowered;
	s6 =	simm.s32 $_tile_overlayer_lowered  }
0x9b: {  	s22 =	simm.s32 $0x1BFF;
	s21 =	sshll.u32 s6, $0x1;
	s3 =	sadd.s32 s4, s19  }
0x9c: {  	s7 =	simm.s32 $0x0;
	s20 =	sshll.u32 s5, $0x1;
	s5 =	sadd.s32 s21, s3  }
0x9d: {  	[timem:s7], [sflag:s22] =	dma.local [hbm:s5], s20  }
0x9e: {  	_ =	swait.ge [sflag:s22], s20  }
0x9f: {  	s4 =	ssub.s32 $0x0, s20;
	[sflag:s22] =	ssyncset.done $0x0  }
0xa0: {  	[sflag:s22] =	ssyncadd.s32 s4;
	_ =	sdelay $0x1  }
0xa1: {  	s23 =	simm.s32 $0x1B8B  }
0xa2: {  	_ =	swait.ge [sflag:s23], $0x1  }
0xa3: {  	[sflag:s23] =	ssyncset.done $0x0  }
0xa4: {  	s25 =	simm.s32 $0x1B8E;
	s24 =	sld [smem:$0x3FFE];
	[sflag:s23] =	ssyncadd.s32 $0xFFFFFFFF  }
0xa5: {  	s26 =	simm.s32 $execute0_lowered;
	[smem:$0x3FD2] =	sst s25  }
0xa6: {  	s5 =	sshll.u32 s26, $0x1;
	_ =	strace $0x80000046;
	[dreg:$0x1] =	wrdreg $0xFFFFFFFF  }
0xa7: {  	s28 =	simm.s32 $_size_execute0_lowered;
	s3 =	sadd.s32 s3, s5;
	[dreg:$0x0] =	wrdreg $0x0  }
0xa8: {  	s5 =	sshll.u32 s28, $0x1;
	[dreg:$0x2] =	wrdreg s3  }
0xa9: {  	[dreg:$0x3] =	wrdreg s5  }
0xaa: {  	[dreg:$0x4] =	wrdreg $0xC0  }
0xab: {  	_ =	task [dreg:s7], $0x5FFFF  }
0xac: {  	[dreg:$0x1] =	wrdreg $0xFFFFFFFF  }
0xad: {  	[dreg:$0x0] =	wrdreg $0x60  }
0xae: {  	[dreg:$0x2] =	wrdreg s2  }
0xaf: {  	[dreg:$0x3] =	wrdreg s24  }
0xb0: {  	[dreg:$0x4] =	wrdreg $0x43000  }
0xb1: {  	[dreg:$0x5] =	wrdreg $0x9  }
0xb2: {  	_ =	task.clear_ibuf [dreg:s7], $0x6FFFF;
	_ =	strace $0x90000046  }
0xb3: {  	s29 =	simm.s32 $0x9;
	_ =	strace $0x80000048  }
0xb4: {  	_ =	swait.ge [sflag:s29], $0x1  }
0xb5: {  	[sflag:s29] =	ssyncadd.s32 $0xFFFFFFFF  }
0xb6: {  	_ =	strace $0x90000048  }
0xb7: {  	_ =	sfence  }
0xb8: {  	s30 =	sld [smem:$0x0];
	_ =	sdelay $0x2  }
0xb9: {  	s31 =	sshll.u32 s1, $0xD;
	s1 =	sshrl.u32 s1, $0x2  }
0xba: {  	s3 =	sand.u32 $0x4000, s31;
	s1 =	sadd.s32 s1, s30  }
0xbb: {  	s0 =	sor.u32 s3, s0;
	s1 =	sshll.u32 s1, $0x11  }
0xbc: {  	s0 =	sor.u32 s1, s0  }
0xbd: {  	s0 =	sadd.s32 $0x8F2B, s0  }
0xbe: {  	[sflag:s0] =	ssyncadd.remote.s32 $0x1  }
0xbf: {  	_ =	sfence.sel $0xFFFF  }
0xc0: {  	[dreg:$0x0] =	wrdreg $0xFFFFFFFF;
	(pc) =	sbr.abs _section_cstart, $3  }
0xc1: {  	[dreg:$0x1] =	wrdreg $0xFFFFFFFF  }
0xc2: {  	_ =	task.clear_ibuf [dreg:s7], $0x2FFFF;
	_ =	strace $0x9FFFFFFF  }
0xc3: {  	(tm) =	ssettm $0x7FFFFFFF  }
tec
execute0_lowered:
.L_overlay_start_1:
0x0: {  	(tag) =	ssettag $0x1  }
0x1: {  	s4 =	rddreg [dreg:$0x0]  }
0x2: {  	s5 =	rddreg [dreg:$0x1]  }
0x3: {  	s1 =	srdreg.scid;
	s0 =	stileid.u32  }
0x4: {  	s2 =	rddreg [dreg:$0x2];
	s3 =	simm.s32 $0x0;
	s12 =	simm.f32 $1.000000000e+00  }
0x5: {  	s10 =	simm.s32 $0x50;
	s11 =	simm.s32 $0x4000;
	s13 =	simm.s32 $0x100  }
0x6: {  	s6 =	sand.u32 $0x1, s1;
	s7 =	smul.u32 $0x500, s0;
	s1 =	rddreg [dreg:$0x3]  }
0x7: {  	s14 =	simm.s32 $0x0;
	[smem:$0x7FF] =	sst s3;
	s30 =	smul.u32 $0xA00, s0  }
0x8: {  	s31 =	sshll.u32 s0, $0xB;
	s8 =	sshll.u32 s6, $0x7;
	s29 =	ssub.s32 $0x2, s6  }
0x9: {  	_ =	strace $0x80000047;
	p0 =	seq.s32 s6, $0x0;
	s6 =	sshll.u32 s6, $0xF  }
0xa: {  	s7 =	sor.u32 s8, s7;
	s9 =	sshrl.u32 s29, $0x1;
	s12 =	simm.s32 @!p0 $0x0  }
0xb: {  	s7 =	sshrl.u32 s7, $0x3;
	s8 =	ssub.s32 s29, s9;
	s9 =	sadd.s32 s4, s31  }
0xc: {  	v0 =	vmov s12;
	s12 =	simm.s32 $0x80;
	s7 =	sadd.s32 s7, s5;
	s5 =	sshrl.u32 s30, $0x2  }
0xd: {  	s4 =	sadd.s32 s5, s2;
	s5 =	sadd.s32 s6, s9;
	s6 =	sadd.s32 $0x15400, s7  }
0xe: {  	v1 =	vimm.f32 $1.000000000e+00;
	s7 =	smax.u32 s8, $0x1;
	s8 =	simm.s32 $0x4080;
	s9 =	simm.s32 $0x1  }
.LBB2_1:
0xf: {  	[tilespmem:$0x4080] =	vst v0  }
0x10: {  	[tilespmem:$0x4090] =	vst v0  }
0x11: {  	[tilespmem:$0x40A0] =	vst v0  }
0x12: {  	[tilespmem:$0x40B0] =	vst v0  }
0x13: {  	[tilespmem:$0x40C0] =	vst v0  }
0x14: {  	[tilespmem:$0x40D0] =	vst v0  }
0x15: {  	[tilespmem:$0x40E0] =	vst v0  }
0x16: {  	[tilespmem:$0x40F0] =	vst v0  }
0x17: {  	[tilespmem:$0x4100] =	vst v0  }
0x18: {  	[tilespmem:$0x4110] =	vst v0  }
0x19: {  	[tilespmem:$0x4120] =	vst v0  }
0x1a: {  	[tilespmem:$0x4130] =	vst v0  }
0x1b: {  	[tilespmem:$0x4140] =	vst v0  }
0x1c: {  	[tilespmem:$0x4150] =	vst v0  }
0x1d: {  	[tilespmem:$0x4160] =	vst v0  }
0x1e: {  	[tilespmem:$0x4170] =	vst v0  }
0x1f: {  	[tilespmem:$0x4180] =	vst v0  }
0x20: {  	[tilespmem:$0x4190] =	vst v0  }
0x21: {  	[tilespmem:$0x41A0] =	vst v0  }
0x22: {  	[tilespmem:$0x41B0] =	vst v0  }
0x23: {  	[tilespmem:$0x41C0] =	vst v0  }
0x24: {  	[tilespmem:$0x41D0] =	vst v0  }
0x25: {  	[tilespmem:$0x41E0] =	vst v0  }
0x26: {  	[tilespmem:$0x41F0] =	vst v0  }
0x27: {  	[tilespmem:$0x4200] =	vst v0  }
0x28: {  	[tilespmem:$0x4210] =	vst v0  }
0x29: {  	[tilespmem:$0x4220] =	vst v0  }
0x2a: {  	[tilespmem:$0x4230] =	vst v0  }
0x2b: {  	[tilespmem:$0x4240] =	vst v0  }
0x2c: {  	[tilespmem:$0x4250] =	vst v0  }
0x2d: {  	[tilespmem:$0x4260] =	vst v0  }
0x2e: {  	[tilespmem:$0x4270] =	vst v0  }
0x2f: {  	[tilespmem:$0x4280] =	vst v0  }
0x30: {  	[tilespmem:$0x4290] =	vst v0  }
0x31: {  	[tilespmem:$0x42A0] =	vst v0  }
0x32: {  	[tilespmem:$0x42B0] =	vst v0  }
0x33: {  	[tilespmem:$0x42C0] =	vst v0  }
0x34: {  	[tilespmem:$0x42D0] =	vst v0  }
0x35: {  	[tilespmem:$0x42E0] =	vst v0  }
0x36: {  	[tilespmem:$0x42F0] =	vst v0  }
0x37: {  	[spmem:s4] =	stream.linear.scatter [tilespmem:s8], [sflag:$0x1], $0x280, $0x38;
	[tilespmem:$0x4580] =	vst v63  }
0x38: {  	_ =	swait.ge [sflag:s9], $0x280  }
0x39: {  	[sflag:s9] =	ssyncset.done $0x0  }
0x3a: {  	[sflag:s9] =	ssyncadd.s32 $0xFFFFFD80  }
0x3b: {  	[tilespmem:$0x4000] =	vst v1  }
0x3c: {  	[tilespmem:$0x4010] =	vst v1  }
0x3d: {  	[tilespmem:$0x4020] =	vst v1  }
0x3e: {  	[tilespmem:$0x4030] =	vst v1  }
0x3f: {  	[tilespmem:$0x4040] =	vst v1  }
0x40: {  	[tilespmem:s3], [sflag:$0x1] =	stream.linear.gather [hbm4b:s5+s3], $0x3E80, $0x38;
	[tilespmem:$0x4580] =	vst v63  }
0x41: {  	_ =	swait.ge [sflag:s9], $0x3E80  }
0x42: {  	[sflag:s9] =	ssyncset.done $0x0  }
0x43: {  	[sflag:s9] =	ssyncadd.s32 $0xFFFFC180  }
0x44: {  	s15 =	simm.s32 $0x0;
	[bflag:$0x0] =	sbarrier.arrive $0xFFFF  }
0x45: {  	[spmem:s2] =	stream.indirect.scatter.add.f32 [tilespmem:s11], [sflag:$0x1], $0x1, s15, s10, $0xb8;
	[tilespmem:$0x4580] =	vst v63  }
0x46: {  	_ =	swait.ge [sflag:s9], $0x50  }
0x47: {  	s15 =	simm.s32 $0x200;
	[sflag:s9] =	ssyncset.done $0x0  }
.LBB2_2:
0x48: {  	s16 =	sshra.s32 s15, $0x2;
	[sflag:s9] =	ssyncadd.s32 $0xFFFFFFB0;
	p0 =	sne.s32 s15, $0xF800  }
0x49: {  	[spmem:s2] =	stream.indirect.scatter.add.f32 [tilespmem:s11], [sflag:$0x1], $0x1, s16, s10, $0xb8;
	[tilespmem:$0x4580] =	vst v63  }
.Ltmp0:
0x4a: {  	_ = 	snop;
	(pc) =	sbr.rel @p0 .LBB2_2-.Ltmp0, $4  }
0x4b: {  	_ = 	snop  }
0x4c: {  	s15 =	sadd.s32 $0x200, s15  }
0x4d: {  	_ =	swait.ge [sflag:s9], $0x50  }
0x4e: {  	[sflag:s9] =	ssyncset.done $0x0  }
0x4f: {  	[sflag:s9] =	ssyncadd.s32 $0xFFFFFFB0  }
0x50: {  	[bflag:$0x0] =	sbarrier.arrive $0xFFFF  }
0x51: {  	[tilespmem:s8], [sflag:$0x1] =	stream.linear.gather [spmem:s4], $0x280, $0x38;
	[tilespmem:$0x4580] =	vst v63  }
0x52: {  	s14 =	sadd.s32 $0x1, s14;
	_ =	swait.ge [sflag:s9], $0x280  }
0x53: {  	p0 =	sne.s32 s14, s7;
	[sflag:s9] =	ssyncset.done $0x0  }
.Ltmp1:
0x54: {  	[sflag:s9] =	ssyncadd.s32 $0xFFFFFD80;
	(pc) =	sbr.rel @p0 .LBB2_1-.Ltmp1, $4  }
0x55: {  	[hbm4b:s6+s12] =	stream.strided.scatter [tilespmem:s8], [sflag:$0x1], $0x280, s13, s12, $0x38;
	[tilespmem:$0x4580] =	vst v63  }
0x56: {  	_ =	swait.ge [sflag:s9], $0x280  }
0x57: {  	[sflag:s9] =	ssyncset.done $0x0  }
0x58: {  	[sflag:s9] =	ssyncadd.s32 $0xFFFFFD80  }
0x59: {  	_ =	sfence.sel $0x180000  }
0x5a: {  	[bflag:$0x0] =	sbarrier.arrive $0xFFFF  }
0x5b: {  	p0 =	sne.s32 s0, $0x0;
	_ =	strace $0x90000047  }
0x5c: {  	s0 =	sadd.s32 @!p0 $0x100000, s1;
	[bflag:$0x2] =	sbarrier.arrive $0xFFFF  }
0x5d: {  	[sflag:s0] =	ssyncadd.tile.s32 @!p0 $0x1;
	_ =	shalt  }
.Lfunc_end2:
_tile_overlayer_lowered:
.L_overlay_start_2:
0x5e: {  	(tag) =	ssettag $0x2  }
0x5f: {  	s0 =	rddreg [dreg:$0x0];
	s2 =	stileid.u32  }
0x60: {  	s1 =	rddreg [dreg:$0x1];
	p0 =	sne.s32 s2, $0x0  }
0x61: {  	s3 =	rddreg [dreg:$0x2];
	[bflag:$0x3] =	sbarrier.arrive $0xFFFF;
	s2 =	simm.s32 @!p0 $0x1C01  }
0x62: {  	[timem:s3], [sflag:s2] =	dma.local @!p0 [hbm:s0], s1  }
0x63: {  	s0 =	simm.s32 @!p0 $0x1  }
0x64: {  	_ =	swait.ge @!p0 [sflag:s0], s1  }
0x65: {  	s1 =	ssub.s32 @!p0 $0x0, s1;
	[sflag:s0] =	ssyncset.done @!p0 $0x0  }
0x66: {  	[sflag:s0] =	ssyncadd.s32 @!p0 s1  }
0x67: {  	[bflag:$0x3] =	sbarrier.arrive $0xFFFF  }
0x68: {  	_ =	shalt  }

// kernel: kernel.9.cloned.1.call-start
scs
__scs_entry_jumppad:
0x0: {  	(pc) =	sbr.rel $0x88, $3  }
0x1: {  	(tag) =	ssettag $0x0;
	lr =	simm.s32 $0x1  }
0x2: {  	[smem:$0x3F9D] =	sst lr;
	_ =	strace $0xD0000000  }
0x3: {  	_ = 	snop  }
0x4: {  	_ = 	snop  }
0x5: {  	_ = 	snop  }
0x6: {  	_ = 	snop  }
0x7: {  	_ = 	snop  }
__scs_overlays_trampoline_lowered:
0x8: {  	[smem:$0x3FAC] =	sst s0  }
0x9: {  	[smem:$0x3FAD] =	sst s1  }
0xa: {  	[smem:$0x3FAE] =	sst s2  }
0xb: {  	[smem:$0x3FAF] =	sst s3  }
0xc: {  	[smem:$0x3FB0] =	sst s4  }
0xd: {  	[smem:$0x3FB1] =	sst s5  }
0xe: {  	[smem:$0x3FB2] =	sst s6  }
0xf: {  	[smem:$0x3FB3] =	sst s7  }
0x10: {  	[smem:$0x3FB4] =	sst s8  }
0x11: {  	[smem:$0x3FB5] =	sst s9;
	s0 =	simm.s32 @!p0 $0x0  }
0x12: {  	s1 =	sld [smem:$0x3F9B];
	s0 =	simm.s32 @p0 $0x1  }
0x13: {  	[smem:$0x3FB6] =	sst s0;
	s0 =	simm.s32 @!p1 $0x0  }
0x14: {  	s2 =	sld [smem:$0x3F9A];
	s0 =	simm.s32 @p1 $0x1  }
0x15: {  	[smem:$0x3FB7] =	sst s0;
	s0 =	simm.s32 @!p2 $0x0  }
0x16: {  	s3 =	sld [smem:$0x3FDB];
	s0 =	simm.s32 @p2 $0x1  }
0x17: {  	s4 =	simm.s32 $0x1BF5;
	[smem:$0x3FB9] =	sst s0  }
0x18: {  	s0 =	sld [smem:$0x3F9C];
	_ =	swait.ge [sflag:s4], $0x0  }
0x19: {  	s7 =	sld [smem:$0x3F9D]  }
0x1a: {  	s8 =	sadd.s32 $0xFFFFE003, lr  }
0x1b: {  	s9 =	sadd.s32 $0xFFFFFEF7, lr;
	s5 =	simm.s32 $0xFFFFFFFF;
	p2 =	slt.u32 s8, $0xFFFFF086  }
0x1c: {  	p1 =	slt.u32 s9, $0xF7A;
	s5 =	simm.s32 @!p2 $0x0  }
0x1d: {  	s5 =	simm.s32 @p1 $0x1;
	p0 =	seq.s32 s7, s2  }
0x1e: {  	s7 =	smul.u32 @!p0 $0xF7A, s2;
	p2 =	seq.s32 @!p0 s5, $0x0  }
0x1f: {  	s9 =	smul.u32 $0xF7A, s1;
	s8 =	simm.s32 @!p0 $0x1BF5;
	p2 =	por !p2, p0  }
0x20: {  	[sflag:s8] =	ssyncset.s32 @!p0 $0xFFFFF086;
	s6 =	sadd.s32 @!p0 s3, s7;
	s7 =	simm.s32 @!p0 $0x108  }
0x21: {  	s3 =	sadd.s32 s3, s9;
	s6 =	sadd.s32 @!p0 $0x88, s6;
	s7 =	simm.s32 @p2 $0x1082  }
0x22: {  	[simem:s7], [sflag:s8] =	dma.local @!p0 [hbm:s6], $0xF7A  }
0x23: {  	s9 =	sor.u32 $0xD0000000, s2;
	s6 =	simm.s32 $0x108;
	_ =	swait.ge @!p0 [sflag:s8], $0x0  }
0x24: {  	s3 =	sadd.s32 $0x88, s3;
	s6 =	simm.s32 @!p1 $0x1082;
	[sflag:s4] =	ssyncset.s32 $0xFFFFF086  }
0x25: {  	[simem:s6], [sflag:s4] =	dma.local [hbm:s3], $0xF7A  }
0x26: {  	[smem:$0x3F9D] =	sst s1;
	(tag) =	ssettag s2;
	_ =	strace s9  }
0x27: {  	s1 =	sld [smem:$0x3FAD]  }
0x28: {  	s2 =	sld [smem:$0x3FAE]  }
0x29: {  	s4 =	sld [smem:$0x3FB0]  }
0x2a: {  	p0 =	seq.s32 s5, $0x0;
	s5 =	sld [smem:$0x3FB1]  }
0x2b: {  	s6 =	sld [smem:$0x3FB2]  }
0x2c: {  	s7 =	sld [smem:$0x3FB3]  }
0x2d: {  	s3 =	simm.s32 $0x108;
	s8 =	sld [smem:$0x3FB4]  }
0x2e: {  	s3 =	simm.s32 @!p0 $0x1082;
	s9 =	sld [smem:$0x3FB5]  }
0x2f: {  	lr =	sadd.s32 s0, s3;
	s0 =	sld [smem:$0x3FAC]  }
0x30: {  	s3 =	sld [smem:$0x3FAF]  }
0x31: {  	[smem:$0x3FB8] =	sst s10  }
0x32: {  	s10 =	sld [smem:$0x3FB6];
	_ =	sdelay $0x3  }
0x33: {  	p0 =	seq.s32 s10, $0x1;
	s10 =	sld [smem:$0x3FB8];
	_ =	sdelay $0x3  }
0x34: {  	[smem:$0x3FB8] =	sst s10  }
0x35: {  	s10 =	sld [smem:$0x3FB7];
	_ =	sdelay $0x3  }
0x36: {  	p1 =	seq.s32 s10, $0x1;
	s10 =	sld [smem:$0x3FB8];
	_ =	sdelay $0x3  }
0x37: {  	[smem:$0x3FB8] =	sst s10  }
0x38: {  	s10 =	sld [smem:$0x3FB9]  }
0x39: {  	_ = 	snop;
	(pc) =	sbr.ind lr, $3  }
0x3a: {  	_ = 	snop  }
0x3b: {  	_ = 	snop  }
0x3c: {  	p2 =	seq.s32 s10, $0x1;
	s10 =	sld [smem:$0x3FB8]  }
0x3d: {  	_ =	shalt  }
0x3e: {  	_ =	shalt  }
0x3f: {  	_ =	shalt  }
0x40: {  	_ =	shalt  }
0x41: {  	_ =	shalt  }
0x42: {  	_ =	shalt  }
0x43: {  	_ =	shalt  }
0x44: {  	_ =	shalt  }
0x45: {  	_ =	shalt  }
0x46: {  	_ =	shalt  }
0x47: {  	_ =	shalt  }
0x48: {  	_ =	shalt  }
0x49: {  	_ =	shalt  }
0x4a: {  	_ =	shalt  }
0x4b: {  	_ =	shalt  }
0x4c: {  	_ =	shalt  }
0x4d: {  	_ =	shalt  }
0x4e: {  	_ =	shalt  }
0x4f: {  	_ =	shalt  }
0x50: {  	_ =	shalt  }
0x51: {  	_ =	shalt  }
0x52: {  	_ =	shalt  }
0x53: {  	_ =	shalt  }
0x54: {  	_ =	shalt  }
0x55: {  	_ =	shalt  }
0x56: {  	_ =	shalt  }
0x57: {  	_ =	shalt  }
0x58: {  	_ =	shalt  }
0x59: {  	_ =	shalt  }
0x5a: {  	_ =	shalt  }
0x5b: {  	_ =	shalt  }
0x5c: {  	_ =	shalt  }
0x5d: {  	_ =	shalt  }
0x5e: {  	_ =	shalt  }
0x5f: {  	_ =	shalt  }
0x60: {  	_ =	shalt  }
0x61: {  	_ =	shalt  }
0x62: {  	_ =	shalt  }
0x63: {  	_ =	shalt  }
0x64: {  	_ =	shalt  }
0x65: {  	_ =	shalt  }
0x66: {  	_ =	shalt  }
0x67: {  	_ =	shalt  }
0x68: {  	_ =	shalt  }
0x69: {  	_ =	shalt  }
0x6a: {  	_ =	shalt  }
0x6b: {  	_ =	shalt  }
0x6c: {  	_ =	shalt  }
0x6d: {  	_ =	shalt  }
0x6e: {  	_ =	shalt  }
0x6f: {  	_ =	shalt  }
0x70: {  	_ =	shalt  }
0x71: {  	_ =	shalt  }
0x72: {  	_ =	shalt  }
0x73: {  	_ =	shalt  }
0x74: {  	_ =	shalt  }
0x75: {  	_ =	shalt  }
0x76: {  	_ =	shalt  }
0x77: {  	_ =	shalt  }
0x78: {  	_ =	shalt  }
0x79: {  	_ =	shalt  }
0x7a: {  	_ =	shalt  }
0x7b: {  	_ =	shalt  }
0x7c: {  	_ =	shalt  }
0x7d: {  	_ =	shalt  }
0x7e: {  	_ =	shalt  }
0x7f: {  	_ =	shalt  }
0x80: {  	_ =	shalt  }
0x81: {  	_ =	shalt  }
0x82: {  	_ =	shalt  }
0x83: {  	_ =	shalt  }
0x84: {  	_ =	shalt  }
0x85: {  	_ =	shalt  }
0x86: {  	_ =	shalt  }
0x87: {  	_ =	shalt  }
.Lfunc_end0:
.L_simem_size_0:
called_computation.1_lowered:
.L_overlay_start_0:
0x88: {  	s2 =	sld [smem:$0x3FD9]  }
0x89: {  	s3 =	sld [smem:$0x3FFE];
	_ =	sdelay $0x1  }
0x8a: {  	s1 =	srdreg.scid  }
0x8b: {  	s0 =	sand.u32 $0x1, s1  }
0x8c: {  	s17 =	sshll.u32 s0, $0xA;
	s2 =	sadd.s32 s3, s2  }
0x8d: {  	s2 =	sadd.s32 s2, s17  }
0x8e: {  	[smem:$0x3FC4] =	sst s2  }
0x8f: {  	_ = 	snop  }
0x90: {  	s2 =	sld [smem:$0x3FD0];
	(tm) =	ssettm $0x1  }
0x91: {  	s18 =	sld [smem:$0x3FFB];
	_ =	sdelay $0x3  }
0x92: {  	_ =	strace s18  }
0x93: {  	s3 =	sld [smem:$0x3FFC];
	_ =	sdelay $0x3  }
0x94: {  	_ =	strace s3  }
0x95: {  	s3 =	sld [smem:$0x3FFD];
	_ =	sdelay $0x3  }
0x96: {  	_ =	strace s3  }
0x97: {  	_ =	strace $0x8FFFFFFF  }
0x98: {  	s19 =	sld [smem:$0x3FDB];
	_ =	sdelay $0x1  }
0x99: {  	s4 =	simm.s32 $_scs_section_size  }
0x9a: {  	s5 =	simm.s32 $_size__tile_overlayer_lowered;
	s6 =	simm.s32 $_tile_overlayer_lowered  }
0x9b: {  	s22 =	simm.s32 $0x1BFF;
	s21 =	sshll.u32 s6, $0x1;
	s3 =	sadd.s32 s4, s19  }
0x9c: {  	s7 =	simm.s32 $0x0;
	s20 =	sshll.u32 s5, $0x1;
	s5 =	sadd.s32 s21, s3  }
0x9d: {  	[timem:s7], [sflag:s22] =	dma.local [hbm:s5], s20  }
0x9e: {  	_ =	swait.ge [sflag:s22], s20  }
0x9f: {  	s4 =	ssub.s32 $0x0, s20;
	[sflag:s22] =	ssyncset.done $0x0  }
0xa0: {  	[sflag:s22] =	ssyncadd.s32 s4;
	_ =	sdelay $0x1  }
0xa1: {  	s23 =	simm.s32 $0x1B8B  }
0xa2: {  	_ =	swait.ge [sflag:s23], $0x1  }
0xa3: {  	[sflag:s23] =	ssyncset.done $0x0  }
0xa4: {  	s25 =	simm.s32 $0x1B8E;
	s24 =	sld [smem:$0x3FFE];
	[sflag:s23] =	ssyncadd.s32 $0xFFFFFFFF  }
0xa5: {  	s26 =	simm.s32 $execute0_lowered;
	[smem:$0x3FD2] =	sst s25  }
0xa6: {  	s5 =	sshll.u32 s26, $0x1;
	_ =	strace $0x80000049;
	[dreg:$0x1] =	wrdreg $0xFFFFFFFF  }
0xa7: {  	s28 =	simm.s32 $_size_execute0_lowered;
	s3 =	sadd.s32 s3, s5;
	[dreg:$0x0] =	wrdreg $0x0  }
0xa8: {  	s5 =	sshll.u32 s28, $0x1;
	[dreg:$0x2] =	wrdreg s3  }
0xa9: {  	[dreg:$0x3] =	wrdreg s5  }
0xaa: {  	[dreg:$0x4] =	wrdreg $0xC0  }
0xab: {  	_ =	task [dreg:s7], $0x5FFFF  }
0xac: {  	[dreg:$0x1] =	wrdreg $0xFFFFFFFF  }
0xad: {  	[dreg:$0x0] =	wrdreg $0x60  }
0xae: {  	[dreg:$0x2] =	wrdreg s24  }
0xaf: {  	[dreg:$0x3] =	wrdreg s2  }
0xb0: {  	[dreg:$0x4] =	wrdreg $0xF8C00  }
0xb1: {  	[dreg:$0x5] =	wrdreg $0x9  }
0xb2: {  	_ =	task.clear_ibuf [dreg:s7], $0x6FFFF;
	_ =	strace $0x90000049  }
0xb3: {  	s29 =	simm.s32 $0x9;
	_ =	strace $0x8000004B  }
0xb4: {  	_ =	swait.ge [sflag:s29], $0x1  }
0xb5: {  	[sflag:s29] =	ssyncadd.s32 $0xFFFFFFFF  }
0xb6: {  	_ =	strace $0x9000004B  }
0xb7: {  	_ =	sfence  }
0xb8: {  	s30 =	sld [smem:$0x0];
	_ =	sdelay $0x2  }
0xb9: {  	s31 =	sshll.u32 s1, $0xD;
	s1 =	sshrl.u32 s1, $0x2  }
0xba: {  	s3 =	sand.u32 $0x4000, s31;
	s1 =	sadd.s32 s1, s30  }
0xbb: {  	s0 =	sor.u32 s3, s0;
	s1 =	sshll.u32 s1, $0x11  }
0xbc: {  	s0 =	sor.u32 s1, s0  }
0xbd: {  	s0 =	sadd.s32 $0x8F2B, s0  }
0xbe: {  	[sflag:s0] =	ssyncadd.remote.s32 $0x1  }
0xbf: {  	_ =	sfence.sel $0xFFFF  }
0xc0: {  	[dreg:$0x0] =	wrdreg $0xFFFFFFFF;
	(pc) =	sbr.abs _section_cstart, $3  }
0xc1: {  	[dreg:$0x1] =	wrdreg $0xFFFFFFFF  }
0xc2: {  	_ =	task.clear_ibuf [dreg:s7], $0x2FFFF;
	_ =	strace $0x9FFFFFFF  }
0xc3: {  	(tm) =	ssettm $0x7FFFFFFF  }
tec
execute0_lowered:
.L_overlay_start_1:
0x0: {  	(tag) =	ssettag $0x1  }
0x1: {  	s4 =	rddreg [dreg:$0x0]  }
0x2: {  	s6 =	rddreg [dreg:$0x1]  }
0x3: {  	s0 =	srdreg.scid;
	s2 =	rddreg [dreg:$0x2]  }
0x4: {  	s1 =	rddreg [dreg:$0x3];
	s3 =	simm.s32 $0x0;
	s13 =	simm.s32 $0x1  }
0x5: {  	s14 =	simm.s32 $0x4E20;
	s15 =	simm.s32 $0xF640;
	s5 =	sand.u32 $0x1, s0  }
0x6: {  	s17 =	simm.s32 $0xA640;
	s0 =	stileid.u32;
	s7 =	smul.u32 $0x50000, s5  }
0x7: {  	s18 =	simm.s32 $0x50;
	s19 =	simm.s32 $0x9C40;
	s9 =	smul.u32 $0x5000, s0  }
0x8: {  	s20 =	simm.s32 $0x0;
	[smem:$0x7FF] =	sst s3;
	s8 =	smul.u32 $0x9C4, s0  }
0x9: {  	_ =	strace $0x8000004A;
	s5 =	ssub.s32 $0x2, s5;
	s31 =	smul.u32 $0x50, s0  }
0xa: {  	s30 =	sshrl.u32 s5, $0x1;
	s10 =	sadd.s32 s9, s7;
	s8 =	sadd.s32 s8, s4  }
0xb: {  	s7 =	sshrl.u32 s7, $0x3;
	s12 =	ssub.s32 s5, s30;
	s6 =	sadd.s32 s6, s31  }
0xc: {  	s10 =	sshrl.u32 s10, $0x3;
	s29 =	sadd.s32 s7, s4;
	s5 =	sadd.s32 $0xB600, s8  }
0xd: {  	s12 =	smax.u32 s12, $0x1;
	s11 =	sadd.s32 s10, s4;
	s4 =	sadd.s32 $0x1800, s8  }
0xe: {  	s7 =	sadd.s32 $0x15400, s29;
	s8 =	sshrl.u32 s9, $0x3;
	s9 =	sadd.s32 s9, s2  }
0xf: {  	s10 =	sadd.s32 $0x29400, s29;
	s11 =	sadd.s32 $0x3D400, s11;
	s16 =	sadd.s32 s8, s7  }
.LBB2_1:
0x10: {  	[tilespmem:s3], [sflag:$0x1] =	stream.linear.gather [hbm4b:s4+s3], $0x4E20, $0x38;
	[tilespmem:$0x148C0] =	vst v63  }
0x11: {  	_ =	swait.ge [sflag:s13], $0x4E20  }
0x12: {  	[sflag:s13] =	ssyncset.done $0x0  }
0x13: {  	[sflag:s13] =	ssyncadd.s32 $0xFFFFB1E0  }
0x14: {  	[tilespmem:s14], [sflag:$0x1] =	stream.linear.gather [hbm4b:s5+s3], $0x4E20, $0x38;
	[tilespmem:$0x148C0] =	vst v63  }
0x15: {  	_ =	swait.ge [sflag:s13], $0x4E20  }
0x16: {  	[sflag:s13] =	ssyncset.done $0x0  }
0x17: {  	[sflag:s13] =	ssyncadd.s32 $0xFFFFB1E0  }
0x18: {  	[tilespmem:s15], [sflag:$0x1] =	stream.linear.gather [hbm4b:s6+s3], $0x280, $0x38;
	[tilespmem:$0x148C0] =	vst v63  }
0x19: {  	_ =	swait.ge [sflag:s13], $0x280  }
0x1a: {  	[sflag:s13] =	ssyncset.done $0x0  }
0x1b: {  	[sflag:s13] =	ssyncadd.s32 $0xFFFFFD80  }
0x1c: {  	[tilespmem:s17], [sflag:$0x1] =	stream.linear.gather [hbm4b:s16+s3], $0x5000, $0x38;
	[tilespmem:$0x148C0] =	vst v63  }
0x1d: {  	_ =	swait.ge [sflag:s13], $0x5000  }
0x1e: {  	[sflag:s13] =	ssyncset.done $0x0  }
0x1f: {  	[sflag:s13] =	ssyncadd.s32 $0xFFFFB000  }
0x20: {  	[spmem:s9] =	stream.linear.scatter [tilespmem:s17], [sflag:$0x1], $0x5000, $0x38;
	[tilespmem:$0x148C0] =	vst v63  }
0x21: {  	_ =	swait.ge [sflag:s13], $0x5000  }
0x22: {  	[sflag:s13] =	ssyncset.done $0x0  }
0x23: {  	[sflag:s13] =	ssyncadd.s32 $0xFFFFB000  }
0x24: {  	s21 =	simm.s32 $0x0;
	[bflag:$0x0] =	sbarrier.arrive $0xFFFF  }
0x25: {  	[tilespmem:s19], [sflag:$0x1] =	stream.indirect.gather [hbm4b:s7+s18], $0x20, s21, s18, $0xb8;
	[tilespmem:$0x148C0] =	vst v63  }
0x26: {  	_ =	swait.ge [sflag:s13], $0xA00  }
0x27: {  	[sflag:s13] =	ssyncset.done $0x0  }
0x28: {  	s31 =	simm.s32 $0x4E20;
	[sflag:s13] =	ssyncadd.s32 $0xFFFFF600  }
0x29: {  	[spmem:s2] =	stream.indirect.scatter.add.f32 [tilespmem:s19], [sflag:$0x1], $0x20, s31, s18, $0xb8;
	[tilespmem:$0x148C0] =	vst v63  }
0x2a: {  	_ =	swait.ge [sflag:s13], $0xA00  }
0x2b: {  	s22 =	simm.s32 $0x280;
	s21 =	simm.s32 $0x140;
	[sflag:s13] =	ssyncset.done $0x0  }
.LBB2_2:
0x2c: {  	s23 =	sshra.s32 s21, $0x2  }
0x2d: {  	[sflag:s13] =	ssyncadd.s32 $0xFFFFF600;
	s21 =	smov.u32 s22;
	s24 =	sadd.s32 $0x140, s22  }
0x2e: {  	[tilespmem:s19], [sflag:$0x1] =	stream.indirect.gather [hbm4b:s7+s18], $0x20, s23, s18, $0xb8;
	[tilespmem:$0x148C0] =	vst v63  }
0x2f: {  	p0 =	sne.s32 s22, $0x13740;
	_ =	swait.ge [sflag:s13], $0xA00  }
.Ltmp0:
0x30: {  	[sflag:s13] =	ssyncset.done $0x0;
	(pc) =	sbr.rel @p0 .LBB2_2-.Ltmp0, $4  }
0x31: {  	s22 =	sadd.s32 $0x4E20, s23;
	[sflag:s13] =	ssyncadd.s32 $0xFFFFF600  }
0x32: {  	[spmem:s2] =	stream.indirect.scatter.add.f32 [tilespmem:s19], [sflag:$0x1], $0x20, s22, s18, $0xb8;
	[tilespmem:$0x148C0] =	vst v63  }
0x33: {  	_ =	swait.ge [sflag:s13], $0xA00  }
0x34: {  	s22 =	smov.u32 s24;
	[sflag:s13] =	ssyncset.done $0x0  }
0x35: {  	s21 =	sshra.s32 s21, $0x2;
	[sflag:s13] =	ssyncadd.s32 $0xFFFFF600  }
0x36: {  	[tilespmem:s19], [sflag:$0x1] =	stream.indirect.gather [hbm4b:s7+s18], $0x20, s21, s18, $0xb8;
	[tilespmem:$0x148C0] =	vst v63  }
0x37: {  	_ =	swait.ge [sflag:s13], $0xA00  }
0x38: {  	[sflag:s13] =	ssyncset.done $0x0  }
0x39: {  	s21 =	sadd.s32 $0x4E20, s21;
	[sflag:s13] =	ssyncadd.s32 $0xFFFFF600  }
0x3a: {  	[spmem:s2] =	stream.indirect.scatter.add.f32 [tilespmem:s19], [sflag:$0x1], $0x20, s21, s18, $0xb8;
	[tilespmem:$0x148C0] =	vst v63  }
0x3b: {  	_ =	swait.ge [sflag:s13], $0xA00  }
0x3c: {  	[sflag:s13] =	ssyncset.done $0x0  }
0x3d: {  	[sflag:s13] =	ssyncadd.s32 $0xFFFFF600  }
0x3e: {  	s31 =	simm.s32 $0x0;
	[bflag:$0x0] =	sbarrier.arrive $0xFFFF  }
0x3f: {  	v0 =	vmov s31;
	[tilespmem:s17], [sflag:$0x1] =	stream.linear.gather [spmem:s9], $0x5000, $0x38;
	[tilespmem:$0x148C0] =	vst v63  }
0x40: {  	_ =	swait.ge [sflag:s13], $0x5000  }
0x41: {  	[sflag:s13] =	ssyncset.done $0x0  }
0x42: {  	s21 =	simm.s32 $0xA650;
	[sflag:s13] =	ssyncadd.s32 $0xFFFFB000  }
0x43: {  	v1 =	vld [tilespmem:s21+$0xFFFFFFF0]  }
0x44: {  	v2 =	vld.idx.msk [tilespmem:v0+s15+$0x0], $0xffff  }
0x45: {  	v3 =	vld [tilespmem:s21+$0x0];
	_ =	sdelay $0x2  }
0x46: {  	s22 =	simm.s32 $0x1  }
0x47: {  	s23 =	simm.s32 $0x2;
	v0 =	vmov s22;
	s22 =	simm.s32 $0xA650  }
.LBB2_4:
0x48: {  	p0 =	sne.s32 s23, $0x27F;
	v1 =	vmul.f32 v1, v2;
	v2 =	vmul.f32 v3, v2;
	_ =	sdelay $0x1  }
0x49: {  	s22 =	sadd.s32 $0x20, s22;
	[tilespmem:s21+$0xFFFFFFF0] =	vst v1  }
0x4a: {  	v1 =	vld [tilespmem:s22+$0xFFFFFFF0];
	[tilespmem:s21+$0x0] =	vst v2;
	s21 =	smov.u32 s22  }
0x4b: {  	v2 =	vld.idx.msk [tilespmem:v0+s15+$0x0], $0xffff  }
.Ltmp1:
0x4c: {  	v3 =	vld [tilespmem:s22+$0x0];
	(pc) =	sbr.rel @p0 .LBB2_4-.Ltmp1, $2  }
0x4d: {  	_ =	sdelay $0x2  }
0x4e: {  	v0 =	vmov s23;
	s23 =	sadd.s32 $0x1, s23  }
0x4f: {  	v1 =	vmul.f32 v1, v2  }
0x50: {  	v63 =	vmul.f32 v3, v2  }
0x51: {  	s22 =	sadd.s32 $0x20, s22;
	[tilespmem:s21+$0xFFFFFFF0] =	vst v1  }
0x52: {  	v1 =	vld [tilespmem:s22+$0xFFFFFFF0];
	[tilespmem:s21+$0x0] =	vst v63  }
0x53: {  	v0 =	vld.idx.msk [tilespmem:v0+s15+$0x0], $0xffff  }
0x54: {  	v2 =	vld [tilespmem:s22+$0x0];
	_ =	sdelay $0x3  }
0x55: {  	v1 =	vmul.f32 v1, v0  }
0x56: {  	v0 =	vmul.f32 v2, v0  }
0x57: {  	[tilespmem:s22+$0xFFFFFFF0] =	vst v1  }
0x58: {  	s28 =	sadd.s32 s8, s10;
	s29 =	simm.s32 $0x0;
	[tilespmem:s22+$0x0] =	vst v0  }
0x59: {  	[hbm4b:s28+s29] =	stream.linear.scatter [tilespmem:s17], [sflag:$0x1], $0x5000, $0x38;
	[tilespmem:$0x148C0] =	vst v63  }
0x5a: {  	_ =	swait.ge [sflag:s13], $0x5000  }
0x5b: {  	[sflag:s13] =	ssyncset.done $0x0  }
0x5c: {  	[sflag:s13] =	ssyncadd.s32 $0xFFFFB000  }
0x5d: {  	[spmem:s9] =	stream.linear.scatter [tilespmem:s17], [sflag:$0x1], $0x5000, $0x38;
	[tilespmem:$0x148C0] =	vst v63  }
0x5e: {  	_ =	swait.ge [sflag:s13], $0x5000  }
0x5f: {  	[sflag:s13] =	ssyncset.done $0x0  }
0x60: {  	[sflag:s13] =	ssyncadd.s32 $0xFFFFB000  }
0x61: {  	s30 =	simm.s32 $0x0;
	[bflag:$0x0] =	sbarrier.arrive $0xFFFF  }
0x62: {  	[tilespmem:s19], [sflag:$0x1] =	stream.indirect.gather [hbm4b:s10+s18], $0x20, s30, s18, $0xb8;
	[tilespmem:$0x148C0] =	vst v63  }
0x63: {  	_ =	swait.ge [sflag:s13], $0xA00  }
0x64: {  	[sflag:s13] =	ssyncset.done $0x0  }
0x65: {  	s31 =	simm.s32 $0x4E20;
	[sflag:s13] =	ssyncadd.s32 $0xFFFFF600  }
0x66: {  	[spmem:s2] =	stream.indirect.scatter.add.f32 [tilespmem:s19], [sflag:$0x1], $0x20, s31, s18, $0xb8;
	[tilespmem:$0x148C0] =	vst v63  }
0x67: {  	_ =	swait.ge [sflag:s13], $0xA00  }
0x68: {  	s21 =	simm.s32 $0x140;
	s22 =	simm.s32 $0x280;
	[sflag:s13] =	ssyncset.done $0x0  }
.LBB2_6:
0x69: {  	s23 =	sshra.s32 s21, $0x2  }
0x6a: {  	[sflag:s13] =	ssyncadd.s32 $0xFFFFF600;
	s21 =	smov.u32 s22;
	s24 =	sadd.s32 $0x140, s22  }
0x6b: {  	[tilespmem:s19], [sflag:$0x1] =	stream.indirect.gather [hbm4b:s10+s18], $0x20, s23, s18, $0xb8;
	[tilespmem:$0x148C0] =	vst v63  }
0x6c: {  	p0 =	sne.s32 s22, $0x13740;
	_ =	swait.ge [sflag:s13], $0xA00  }
.Ltmp2:
0x6d: {  	[sflag:s13] =	ssyncset.done $0x0;
	(pc) =	sbr.rel @p0 .LBB2_6-.Ltmp2, $4  }
0x6e: {  	s22 =	sadd.s32 $0x4E20, s23;
	[sflag:s13] =	ssyncadd.s32 $0xFFFFF600  }
0x6f: {  	[spmem:s2] =	stream.indirect.scatter.add.f32 [tilespmem:s19], [sflag:$0x1], $0x20, s22, s18, $0xb8;
	[tilespmem:$0x148C0] =	vst v63  }
0x70: {  	_ =	swait.ge [sflag:s13], $0xA00  }
0x71: {  	s22 =	smov.u32 s24;
	[sflag:s13] =	ssyncset.done $0x0  }
0x72: {  	s21 =	sshra.s32 s21, $0x2;
	[sflag:s13] =	ssyncadd.s32 $0xFFFFF600  }
0x73: {  	[tilespmem:s19], [sflag:$0x1] =	stream.indirect.gather [hbm4b:s10+s18], $0x20, s21, s18, $0xb8;
	[tilespmem:$0x148C0] =	vst v63  }
0x74: {  	_ =	swait.ge [sflag:s13], $0xA00  }
0x75: {  	[sflag:s13] =	ssyncset.done $0x0  }
0x76: {  	s21 =	sadd.s32 $0x4E20, s21;
	[sflag:s13] =	ssyncadd.s32 $0xFFFFF600  }
0x77: {  	[spmem:s2] =	stream.indirect.scatter.add.f32 [tilespmem:s19], [sflag:$0x1], $0x20, s21, s18, $0xb8;
	[tilespmem:$0x148C0] =	vst v63  }
0x78: {  	_ =	swait.ge [sflag:s13], $0xA00  }
0x79: {  	[sflag:s13] =	ssyncset.done $0x0  }
0x7a: {  	[sflag:s13] =	ssyncadd.s32 $0xFFFFF600  }
0x7b: {  	[bflag:$0x0] =	sbarrier.arrive $0xFFFF  }
0x7c: {  	[tilespmem:s17], [sflag:$0x1] =	stream.linear.gather [spmem:s9], $0x5000, $0x38;
	[tilespmem:$0x148C0] =	vst v63  }
0x7d: {  	s20 =	sadd.s32 $0x1, s20;
	_ =	swait.ge [sflag:s13], $0x5000  }
0x7e: {  	p0 =	sne.s32 s20, s12;
	[sflag:s13] =	ssyncset.done $0x0  }
.Ltmp3:
0x7f: {  	[sflag:s13] =	ssyncadd.s32 $0xFFFFB000;
	(pc) =	sbr.rel @p0 .LBB2_1-.Ltmp3, $4  }
0x80: {  	[hbm4b:s11+s3] =	stream.linear.scatter [tilespmem:s17], [sflag:$0x1], $0x5000, $0x38;
	[tilespmem:$0x148C0] =	vst v63  }
0x81: {  	_ =	swait.ge [sflag:s13], $0x5000  }
0x82: {  	[sflag:s13] =	ssyncset.done $0x0  }
0x83: {  	[sflag:s13] =	ssyncadd.s32 $0xFFFFB000  }
0x84: {  	_ =	sfence.sel $0x180000  }
0x85: {  	[bflag:$0x0] =	sbarrier.arrive $0xFFFF  }
0x86: {  	p0 =	sne.s32 s0, $0x0;
	_ =	strace $0x9000004A  }
0x87: {  	s0 =	sadd.s32 @!p0 $0x100000, s1;
	[bflag:$0x2] =	sbarrier.arrive $0xFFFF  }
0x88: {  	[sflag:s0] =	ssyncadd.tile.s32 @!p0 $0x1;
	_ =	shalt  }
.Lfunc_end2:
_tile_overlayer_lowered:
.L_overlay_start_2:
0x89: {  	(tag) =	ssettag $0x2  }
0x8a: {  	s0 =	rddreg [dreg:$0x0];
	s2 =	stileid.u32  }
0x8b: {  	s1 =	rddreg [dreg:$0x1];
	p0 =	sne.s32 s2, $0x0  }
0x8c: {  	s3 =	rddreg [dreg:$0x2];
	[bflag:$0x3] =	sbarrier.arrive $0xFFFF;
	s2 =	simm.s32 @!p0 $0x1C01  }
0x8d: {  	[timem:s3], [sflag:s2] =	dma.local @!p0 [hbm:s0], s1  }
0x8e: {  	s0 =	simm.s32 @!p0 $0x1  }
0x8f: {  	_ =	swait.ge @!p0 [sflag:s0], s1  }
0x90: {  	s1 =	ssub.s32 @!p0 $0x0, s1;
	[sflag:s0] =	ssyncset.done @!p0 $0x0  }
0x91: {  	[sflag:s0] =	ssyncadd.s32 @!p0 s1  }
0x92: {  	[bflag:$0x3] =	sbarrier.arrive $0xFFFF  }
0x93: {  	_ =	shalt  }

</sc_bundles>
